<compile_context>
chip_gen: v7x
topology: tpu7x:2x2x1
jax: 0.10.2.dev20260603
libtpu: 0.0.44.dev20260713+nightly
codegen_flags: <defaults>
</compile_context>

<pallas_src>
import functools

import jax
import jax.numpy as jnp
from jax import lax
from jax.experimental import pallas as pl
from jax.experimental.pallas import tpu as pltpu
from jax.experimental.pallas import tpu_sc as plsc

D = 128
G = 128
NB = 5
LA = 2
NC = 2
NS = 16
NW = NC * NS


def _build(b_total):
    assert (b_total // NW) % (G * NB) == 0
    b_per_w = b_total // NW
    n_g = b_per_w // G
    assert NB == 5 and LA == 2 and n_g % 20 == 0

    mesh = plsc.VectorSubcoreMesh(core_axis_name="c", subcore_axis_name="s")

    @functools.partial(
        pl.kernel,
        mesh=mesh,
        out_type=jax.ShapeDtypeStruct((b_total, D), jnp.float32),
        scratch_types=[
            pltpu.VMEM((n_g, G), jnp.int32),
            pltpu.VMEM((NB, G, D), jnp.float32),
            pltpu.VMEM_SHARED((1536, D), jnp.float32),
            pltpu.SemaphoreType.DMA,
            pltpu.SemaphoreType.DMA,
            pltpu.SemaphoreType.DMA,
        ],
    )
    def gather_kernel(pos_hbm, table_hbm, out_hbm, idx_v, rows_v, table_sh,
                      sem_g, sem_h, sem_o):
        sid = lax.axis_index("s")
        wid = sid * NC + lax.axis_index("c")
        row_base = wid * b_per_w

        rows_per_tile = 1536 // NS
        pltpu.sync_copy(
            table_hbm.at[pl.ds(sid * rows_per_tile, rows_per_tile)],
            table_sh.at[pl.ds(sid * rows_per_tile, rows_per_tile)],
        )

        pltpu.sync_copy(pos_hbm.at[pl.ds(wid * n_g, n_g)], idx_v)
        plsc.subcore_barrier()

        pltpu.async_copy(table_hbm.at[idx_v.at[0]], rows_v.at[0], sem_h)
        for j in range(1, LA):
            pltpu.async_copy(table_sh.at[idx_v.at[j]], rows_v.at[j], sem_g)

        def body(i4, _):
            for p in range(NB):
                i = NB * i4 + p

                @pl.when(i >= NB - LA)
                def _drain(p=p, i=i):
                    pltpu.make_async_copy(
                        rows_v.at[(p + LA) % NB],
                        out_hbm.at[
                            pl.ds(row_base + lax.max(i - (NB - LA), 0) * G, G)
                        ],
                        sem_o,
                    ).wait()

                @pl.when(i + LA < n_g)
                def _fire(p=p, i=i, i4=i4):
                    j_clamped = lax.min(i + LA, n_g - 1)
                    dst = rows_v.at[(p + LA) % NB]
                    if p == 3:
                        hbm_turn = lax.rem(i4, 4) == 3

                        @pl.when(hbm_turn)
                        def _from_hbm():
                            pltpu.async_copy(
                                table_hbm.at[idx_v.at[j_clamped]], dst, sem_h
                            )

                        @pl.when(jnp.logical_not(hbm_turn))
                        def _from_spmem():
                            pltpu.async_copy(
                                table_sh.at[idx_v.at[j_clamped]], dst, sem_g
                            )
                    else:
                        pltpu.async_copy(
                            table_sh.at[idx_v.at[j_clamped]], dst, sem_g
                        )

                if p == 0:
                    hbm_wait = lax.rem(i4, 4) == 0

                    @pl.when(hbm_wait)
                    def _wait_hbm(p=p, i=i):
                        pltpu.make_async_copy(
                            table_hbm.at[idx_v.at[i]], rows_v.at[p], sem_h
                        ).wait()

                    @pl.when(jnp.logical_not(hbm_wait))
                    def _wait_spmem(p=p, i=i):
                        pltpu.make_async_copy(
                            table_sh.at[idx_v.at[i]], rows_v.at[p], sem_g
                        ).wait()
                else:
                    pltpu.make_async_copy(
                        table_sh.at[idx_v.at[i]], rows_v.at[p], sem_g
                    ).wait()
                pltpu.async_copy(
                    rows_v.at[p],
                    out_hbm.at[pl.ds(row_base + i * G, G)],
                    sem_o,
                )
            return ()

        lax.fori_loop(0, n_g // NB, body, (), unroll=False)

        for q in range(NB - LA):
            i = n_g - (NB - LA) + q
            pltpu.make_async_copy(
                rows_v.at[i % NB],
                out_hbm.at[pl.ds(row_base + i * G, G)],
                sem_o,
            ).wait()

    return gather_kernel


@jax.jit
def kernel(pos, h_gcn, table):
    del h_gcn
    b, l, _ = pos.shape
    b_total = b * l
    idx = pos.reshape(b_total // G, G).astype(jnp.int32)
    out = _build(b_total)(idx, table)
    return out.reshape(b, l, D)

# --- scband reference (transcript-rebuilt; emitter-appended) ---
"""Pipeline reference for scband-position-encoder-86174223827267 (READ-ONLY COPY).

The authoritative reference and input builder live on the scoring server;
editing this copy changes nothing except your own understanding.
"""

import jax, jax.numpy as jnp
import numpy as np

MAX_N = 1536  # max_doc_n_words = 1534 + 2
D_GRAPH = 128


def _position_encoding_init(n_position, d_pos_vec):
    position_enc = np.array([
        [pos / np.power(10000, 2 * (j // 2) / d_pos_vec) for j in range(d_pos_vec)]
        if pos != 0 else np.zeros(d_pos_vec)
        for pos in range(n_position)
    ])
    position_enc[1:, 0::2] = np.sin(position_enc[1:, 0::2])
    position_enc[1:, 1::2] = np.cos(position_enc[1:, 1::2])
    return jnp.asarray(position_enc, dtype=jnp.float32)


def setup_inputs(seed: int = 0) -> dict:
    key = jax.random.key(seed)
    k1, k2 = jax.random.split(key)
    pos = jax.random.randint(k1, (4096, 200, 1), 0, MAX_N)
    h_gcn = jax.random.normal(k2, (4096, 200, D_GRAPH), dtype=jnp.float32)
    table = _position_encoding_init(MAX_N, D_GRAPH)  # nn.Embedding weight, padding_idx=0 row is zeros
    return {"pos": pos, "h_gcn": h_gcn, "table": table}


def reference(pos, h_gcn, table):
    # mode == 'lookup': embedding gather then squeeze(2)
    pos_enc = jnp.take(table, pos, axis=0)  # [B, L, 1, D]
    pos_enc = jnp.squeeze(pos_enc, axis=2)  # [B, L, D]
    return pos_enc

if __name__ == "__main__":
    import jax
    _d = setup_inputs()
    print(jax.jit(kernel)(*tuple(_d.values())))

</pallas_src>

<mosaic_0001>
#map = affine_map<(d0, d1) -> (0, 0)>
module attributes {stable_mosaic.version = 14 : i64} {
  func.func @gather_kernel(%arg0: i32, %arg1: i32, %arg2: memref<6400x128xi32, #tpu.memory_space<hbm>>, %arg3: memref<1536x128xf32, #tpu.memory_space<hbm>>, %arg4: memref<819200x128xf32, #tpu.memory_space<hbm>>, %arg5: memref<200x128xi32, #tpu.memory_space<vmem>>, %arg6: memref<5x128x128xf32, #tpu.memory_space<vmem>>, %arg7: memref<1536x128xf32, #tpu.memory_space<vmem_shared>>, %arg8: memref<!tpu.dma_semaphore, #tpu.memory_space<semaphore_mem>>, %arg9: memref<!tpu.dma_semaphore, #tpu.memory_space<semaphore_mem>>, %arg10: memref<!tpu.dma_semaphore, #tpu.memory_space<semaphore_mem>>) attributes {dimension_semantics = [#tpu.dimension_semantics<core_parallel>, #tpu.dimension_semantics<subcore_parallel>], iteration_bounds = array<i64: 2, 16>, scalar_prefetch = 0 : i64, scratch_operands = 6 : i64, tpu.core_type = #tpu.core_type<sc_vector_subcore>, window_params = [{transform_indices = #map}, {transform_indices = #map}, {transform_indices = #map}]} {
    %mul3A = arith.constant 2 : i32
    %mul3A_0 = arith.muli %arg1, %mul3A : i32
    %add3A = arith.addi %mul3A_0, %arg0 : i32
    %mul3A_1 = arith.constant 25600 : i32
    %mul3A_2 = arith.muli %add3A, %mul3A_1 : i32
    %mul3A_3 = arith.constant 96 : i32
    %mul3A_4 = arith.muli %arg1, %mul3A_3 : i32
    %mul3A_5 = arith.constant 96 : i32
    %mul3A_6 = arith.muli %arg1, %mul3A_5 : i32
    "tpu.region"() ({
      %run_scoped3A = tpu.sem_alloc : memref<!tpu.dma_semaphore, #tpu.memory_space<semaphore_mem>>
      %dma_start3A_80 = arith.constant 0 : i32
      %dma_start3A_81 = tpu.memref_slice %arg7[%mul3A_6, %dma_start3A_80] : memref<1536x128xf32, #tpu.memory_space<vmem_shared>> -> memref<96x128xf32, #tpu.memory_space<vmem_shared>>
      %dma_start3A_82 = arith.constant 0 : i32
      %dma_start3A_83 = tpu.memref_slice %arg3[%mul3A_4, %dma_start3A_82] : memref<1536x128xf32, #tpu.memory_space<hbm>> -> memref<96x128xf32, #tpu.memory_space<hbm>>
      tpu.enqueue_dma source(%dma_start3A_83 : memref<96x128xf32, #tpu.memory_space<hbm>>) target(%dma_start3A_81 : memref<96x128xf32, #tpu.memory_space<vmem_shared>>) target_semaphore(%run_scoped3A : memref<!tpu.dma_semaphore, #tpu.memory_space<semaphore_mem>>)
      %dma_wait3A_84 = arith.constant 0 : i32
      %dma_wait3A_85 = tpu.memref_slice %arg7[%mul3A_6, %dma_wait3A_84] : memref<1536x128xf32, #tpu.memory_space<vmem_shared>> -> memref<96x128xf32, #tpu.memory_space<vmem_shared>>
      %dma_wait3A_86 = arith.constant 0 : i32
      %dma_wait3A_87 = tpu.memref_slice %arg3[%mul3A_4, %dma_wait3A_86] : memref<1536x128xf32, #tpu.memory_space<hbm>> -> memref<96x128xf32, #tpu.memory_space<hbm>>
      tpu.wait_dma2 semaphore(%run_scoped3A : memref<!tpu.dma_semaphore, #tpu.memory_space<semaphore_mem>>) src(%dma_wait3A_87 : memref<96x128xf32, #tpu.memory_space<hbm>>) dst(%dma_wait3A_85 : memref<96x128xf32, #tpu.memory_space<vmem_shared>>)
      tpu.yield
    }) : () -> ()
    %mul3A_7 = arith.constant 200 : i32
    %mul3A_8 = arith.muli %add3A, %mul3A_7 : i32
    "tpu.region"() ({
      %run_scoped3A = tpu.sem_alloc : memref<!tpu.dma_semaphore, #tpu.memory_space<semaphore_mem>>
      %dma_start3A_80 = arith.constant 0 : i32
      %dma_start3A_81 = tpu.memref_slice %arg2[%mul3A_8, %dma_start3A_80] : memref<6400x128xi32, #tpu.memory_space<hbm>> -> memref<200x128xi32, #tpu.memory_space<hbm>>
      %dma_start3A_82 = arith.constant 0 : i32
      %dma_start3A_83 = tpu.memref_slice %arg2[%mul3A_8, %dma_start3A_82] : memref<6400x128xi32, #tpu.memory_space<hbm>> -> memref<200x128xi32, #tpu.memory_space<hbm>>
      tpu.enqueue_dma source(%dma_start3A_83 : memref<200x128xi32, #tpu.memory_space<hbm>>) target(%arg5 : memref<200x128xi32, #tpu.memory_space<vmem>>) target_semaphore(%run_scoped3A : memref<!tpu.dma_semaphore, #tpu.memory_space<semaphore_mem>>)
      %dma_wait3A_84 = arith.constant 0 : i32
      %dma_wait3A_85 = tpu.memref_slice %arg2[%mul3A_8, %dma_wait3A_84] : memref<6400x128xi32, #tpu.memory_space<hbm>> -> memref<200x128xi32, #tpu.memory_space<hbm>>
      %dma_wait3A_86 = arith.constant 0 : i32
      %dma_wait3A_87 = tpu.memref_slice %arg2[%mul3A_8, %dma_wait3A_86] : memref<6400x128xi32, #tpu.memory_space<hbm>> -> memref<200x128xi32, #tpu.memory_space<hbm>>
      tpu.wait_dma2 semaphore(%run_scoped3A : memref<!tpu.dma_semaphore, #tpu.memory_space<semaphore_mem>>) src(%dma_wait3A_87 : memref<200x128xi32, #tpu.memory_space<hbm>>) dst(%arg5 : memref<200x128xi32, #tpu.memory_space<vmem>>)
      tpu.yield
    }) : () -> ()
    %barrier3A = arith.constant 0 : index
    tpu.barrier barrier_id(%barrier3A)
    %dma_start3A = arith.constant 0 : i32
    %dma_start3A_9 = arith.constant 0 : i32
    %dma_start3A_10 = arith.constant 0 : i32
    %dma_start3A_11 = arith.constant 0 : i32
    %dma_start3A_12 = tpu.memref_slice %arg6[%dma_start3A_9, %dma_start3A_10, %dma_start3A_11] : memref<5x128x128xf32, #tpu.memory_space<vmem>> -> memref<1x128x128xf32, #tpu.memory_space<vmem>>
    %dma_start3A_13 = tpu.memref_squeeze %dma_start3A_12 : memref<1x128x128xf32, #tpu.memory_space<vmem>> -> memref<128x128xf32, #tpu.memory_space<vmem>>
    %dma_start3A_14 = arith.constant 0 : i32
    %dma_start3A_15 = tpu.memref_slice %arg5[%dma_start3A, %dma_start3A_14] : memref<200x128xi32, #tpu.memory_space<vmem>> -> memref<1x128xi32, #tpu.memory_space<vmem>>
    %dma_start3A_16 = tpu.memref_squeeze %dma_start3A_15 : memref<1x128xi32, #tpu.memory_space<vmem>> -> memref<128xi32, #tpu.memory_space<vmem>>
    %dma_start3A_17 = arith.constant 0 : i32
    %dma_start3A_18 = arith.constant 0 : i32
    %dma_start3A_19 = tpu.memref_slice %arg3[%dma_start3A_17, %dma_start3A_18] : memref<1536x128xf32, #tpu.memory_space<hbm>> -> memref<1536x128xf32, #tpu.memory_space<hbm>>
    tpu.enqueue_indirect_dma source(%dma_start3A_19 : memref<1536x128xf32, #tpu.memory_space<hbm>>) target(%dma_start3A_13 : memref<128x128xf32, #tpu.memory_space<vmem>>) offsets(%dma_start3A_16 : memref<128xi32, #tpu.memory_space<vmem>>) semaphore(%arg9 : memref<!tpu.dma_semaphore, #tpu.memory_space<semaphore_mem>>)
    %dma_start3A_20 = arith.constant 1 : i32
    %dma_start3A_21 = arith.constant 1 : i32
    %dma_start3A_22 = arith.constant 0 : i32
    %dma_start3A_23 = arith.constant 0 : i32
    %dma_start3A_24 = tpu.memref_slice %arg6[%dma_start3A_21, %dma_start3A_22, %dma_start3A_23] : memref<5x128x128xf32, #tpu.memory_space<vmem>> -> memref<1x128x128xf32, #tpu.memory_space<vmem>>
    %dma_start3A_25 = tpu.memref_squeeze %dma_start3A_24 : memref<1x128x128xf32, #tpu.memory_space<vmem>> -> memref<128x128xf32, #tpu.memory_space<vmem>>
    %dma_start3A_26 = arith.constant 0 : i32
    %dma_start3A_27 = tpu.memref_slice %arg5[%dma_start3A_20, %dma_start3A_26] : memref<200x128xi32, #tpu.memory_space<vmem>> -> memref<1x128xi32, #tpu.memory_space<vmem>>
    %dma_start3A_28 = tpu.memref_squeeze %dma_start3A_27 : memref<1x128xi32, #tpu.memory_space<vmem>> -> memref<128xi32, #tpu.memory_space<vmem>>
    %dma_start3A_29 = arith.constant 0 : i32
    %dma_start3A_30 = arith.constant 0 : i32
    %dma_start3A_31 = tpu.memref_slice %arg7[%dma_start3A_29, %dma_start3A_30] : memref<1536x128xf32, #tpu.memory_space<vmem_shared>> -> memref<1536x128xf32, #tpu.memory_space<vmem_shared>>
    tpu.enqueue_indirect_dma source(%dma_start3A_31 : memref<1536x128xf32, #tpu.memory_space<vmem_shared>>) target(%dma_start3A_25 : memref<128x128xf32, #tpu.memory_space<vmem>>) offsets(%dma_start3A_28 : memref<128xi32, #tpu.memory_space<vmem>>) semaphore(%arg8 : memref<!tpu.dma_semaphore, #tpu.memory_space<semaphore_mem>>)
    %scan3A = arith.constant 0 : i32
    %scan3A_32 = arith.constant 40 : i32
    %scan3A_33 = arith.addi %scan3A, %scan3A_32 : i32
    %scan3A_34 = arith.constant 1 : i32
    scf.for %scan3A_80 = %scan3A to %scan3A_33 step %scan3A_34  : i32 {
      %mul3A_81 = arith.constant 5 : i32
      %mul3A_82 = arith.muli %mul3A_81, %scan3A_80 : i32
      %add3A_83 = arith.constant 0 : i32
      %add3A_84 = arith.addi %mul3A_82, %add3A_83 : i32
      %ge3A = arith.constant 3 : i32
      %ge3A_85 = arith.cmpi sge, %add3A_84, %ge3A : i32
      %convert_element_type3A = arith.extui %ge3A_85 : i1 to i32
      %cond3A = arith.constant 0 : i32
      %cond3A_86 = arith.cmpi ne, %convert_element_type3A, %cond3A : i32
      scf.if %cond3A_86 {
        %sub3A = arith.constant 3 : i32
        %sub3A_290 = arith.subi %add3A_84, %sub3A : i32
        %max3A = arith.constant 0 : i32
        %max3A_291 = arith.maxsi %sub3A_290, %max3A : i32
        %mul3A_292 = arith.constant 128 : i32
        %mul3A_293 = arith.muli %max3A_291, %mul3A_292 : i32
        %add3A_294 = arith.addi %mul3A_2, %mul3A_293 : i32
        %dma_wait3A_295 = arith.constant 2 : i32
        %dma_wait3A_296 = arith.constant 0 : i32
        %dma_wait3A_297 = arith.constant 0 : i32
        %dma_wait3A_298 = tpu.memref_slice %arg6[%dma_wait3A_295, %dma_wait3A_296, %dma_wait3A_297] : memref<5x128x128xf32, #tpu.memory_space<vmem>> -> memref<1x128x128xf32, #tpu.memory_space<vmem>>
        %dma_wait3A_299 = tpu.memref_squeeze %dma_wait3A_298 : memref<1x128x128xf32, #tpu.memory_space<vmem>> -> memref<128x128xf32, #tpu.memory_space<vmem>>
        %dma_wait3A_300 = arith.constant 0 : i32
        %dma_wait3A_301 = tpu.memref_slice %arg4[%add3A_294, %dma_wait3A_300] : memref<819200x128xf32, #tpu.memory_space<hbm>> -> memref<128x128xf32, #tpu.memory_space<hbm>>
        %dma_wait3A_302 = arith.constant 0 : i32
        %dma_wait3A_303 = tpu.memref_slice %arg4[%add3A_294, %dma_wait3A_302] : memref<819200x128xf32, #tpu.memory_space<hbm>> -> memref<128x128xf32, #tpu.memory_space<hbm>>
        %dma_wait3A_304 = arith.constant 0 : i32
        %dma_wait3A_305 = arith.constant 0 : i32
        %dma_wait3A_306 = tpu.memref_slice %arg6[%dma_wait3A_295, %dma_wait3A_304, %dma_wait3A_305] : memref<5x128x128xf32, #tpu.memory_space<vmem>> -> memref<1x128x128xf32, #tpu.memory_space<vmem>>
        %dma_wait3A_307 = tpu.memref_squeeze %dma_wait3A_306 : memref<1x128x128xf32, #tpu.memory_space<vmem>> -> memref<128x128xf32, #tpu.memory_space<vmem>>
        tpu.wait_dma2 semaphore(%arg10 : memref<!tpu.dma_semaphore, #tpu.memory_space<semaphore_mem>>) src(%dma_wait3A_307 : memref<128x128xf32, #tpu.memory_space<vmem>>) dst(%dma_wait3A_303 : memref<128x128xf32, #tpu.memory_space<hbm>>)
      } else {
      }
      %add3A_87 = arith.constant 2 : i32
      %add3A_88 = arith.addi %add3A_84, %add3A_87 : i32
      %lt3A = arith.constant 200 : i32
      %lt3A_89 = arith.cmpi slt, %add3A_88, %lt3A : i32
      %convert_element_type3A_90 = arith.extui %lt3A_89 : i1 to i32
      %cond3A_91 = arith.constant 0 : i32
      %cond3A_92 = arith.cmpi ne, %convert_element_type3A_90, %cond3A_91 : i32
      scf.if %cond3A_92 {
        %add3A_290 = arith.constant 2 : i32
        %add3A_291 = arith.addi %add3A_84, %add3A_290 : i32
        %min3A = arith.constant 199 : i32
        %min3A_292 = arith.minsi %add3A_291, %min3A : i32
        %dma_start3A_293 = arith.constant 2 : i32
        %dma_start3A_294 = arith.constant 0 : i32
        %dma_start3A_295 = arith.constant 0 : i32
        %dma_start3A_296 = tpu.memref_slice %arg6[%dma_start3A_293, %dma_start3A_294, %dma_start3A_295] : memref<5x128x128xf32, #tpu.memory_space<vmem>> -> memref<1x128x128xf32, #tpu.memory_space<vmem>>
        %dma_start3A_297 = tpu.memref_squeeze %dma_start3A_296 : memref<1x128x128xf32, #tpu.memory_space<vmem>> -> memref<128x128xf32, #tpu.memory_space<vmem>>
        %dma_start3A_298 = arith.constant 0 : i32
        %dma_start3A_299 = tpu.memref_slice %arg5[%min3A_292, %dma_start3A_298] : memref<200x128xi32, #tpu.memory_space<vmem>> -> memref<1x128xi32, #tpu.memory_space<vmem>>
        %dma_start3A_300 = tpu.memref_squeeze %dma_start3A_299 : memref<1x128xi32, #tpu.memory_space<vmem>> -> memref<128xi32, #tpu.memory_space<vmem>>
        %dma_start3A_301 = arith.constant 0 : i32
        %dma_start3A_302 = arith.constant 0 : i32
        %dma_start3A_303 = tpu.memref_slice %arg7[%dma_start3A_301, %dma_start3A_302] : memref<1536x128xf32, #tpu.memory_space<vmem_shared>> -> memref<1536x128xf32, #tpu.memory_space<vmem_shared>>
        tpu.enqueue_indirect_dma source(%dma_start3A_303 : memref<1536x128xf32, #tpu.memory_space<vmem_shared>>) target(%dma_start3A_297 : memref<128x128xf32, #tpu.memory_space<vmem>>) offsets(%dma_start3A_300 : memref<128xi32, #tpu.memory_space<vmem>>) semaphore(%arg8 : memref<!tpu.dma_semaphore, #tpu.memory_space<semaphore_mem>>)
      } else {
      }
      %rem3A = arith.constant 4 : i32
      %rem3A_93 = arith.remsi %scan3A_80, %rem3A : i32
      %eq3A = arith.constant 0 : i32
      %eq3A_94 = arith.cmpi eq, %rem3A_93, %eq3A : i32
      %convert_element_type3A_95 = arith.extui %eq3A_94 : i1 to i32
      %cond3A_96 = arith.constant 0 : i32
      %cond3A_97 = arith.cmpi ne, %convert_element_type3A_95, %cond3A_96 : i32
      scf.if %cond3A_97 {
        %dma_wait3A_290 = arith.constant 0 : i32
        %dma_wait3A_291 = arith.constant 0 : i32
        %dma_wait3A_292 = arith.constant 0 : i32
        %dma_wait3A_293 = tpu.memref_slice %arg6[%dma_wait3A_290, %dma_wait3A_291, %dma_wait3A_292] : memref<5x128x128xf32, #tpu.memory_space<vmem>> -> memref<1x128x128xf32, #tpu.memory_space<vmem>>
        %dma_wait3A_294 = tpu.memref_squeeze %dma_wait3A_293 : memref<1x128x128xf32, #tpu.memory_space<vmem>> -> memref<128x128xf32, #tpu.memory_space<vmem>>
        %dma_wait3A_295 = arith.constant 0 : i32
        %dma_wait3A_296 = tpu.memref_slice %arg5[%add3A_84, %dma_wait3A_295] : memref<200x128xi32, #tpu.memory_space<vmem>> -> memref<1x128xi32, #tpu.memory_space<vmem>>
        %dma_wait3A_297 = tpu.memref_squeeze %dma_wait3A_296 : memref<1x128xi32, #tpu.memory_space<vmem>> -> memref<128xi32, #tpu.memory_space<vmem>>
        %dma_wait3A_298 = arith.constant 0 : i32
        %dma_wait3A_299 = arith.constant 0 : i32
        %dma_wait3A_300 = tpu.memref_slice %arg3[%dma_wait3A_298, %dma_wait3A_299] : memref<1536x128xf32, #tpu.memory_space<hbm>> -> memref<1536x128xf32, #tpu.memory_space<hbm>>
        tpu.wait_indirect_dma semaphore(%arg9 : memref<!tpu.dma_semaphore, #tpu.memory_space<semaphore_mem>>) src(%dma_wait3A_300 : memref<1536x128xf32, #tpu.memory_space<hbm>>) dst(%dma_wait3A_294 : memref<128x128xf32, #tpu.memory_space<vmem>>)
      } else {
      }
      %not3A = arith.constant true
      %not3A_98 = arith.xori %eq3A_94, %not3A : i1
      %convert_element_type3A_99 = arith.extui %not3A_98 : i1 to i32
      %cond3A_100 = arith.constant 0 : i32
      %cond3A_101 = arith.cmpi ne, %convert_element_type3A_99, %cond3A_100 : i32
      scf.if %cond3A_101 {
        %dma_wait3A_290 = arith.constant 0 : i32
        %dma_wait3A_291 = arith.constant 0 : i32
        %dma_wait3A_292 = arith.constant 0 : i32
        %dma_wait3A_293 = tpu.memref_slice %arg6[%dma_wait3A_290, %dma_wait3A_291, %dma_wait3A_292] : memref<5x128x128xf32, #tpu.memory_space<vmem>> -> memref<1x128x128xf32, #tpu.memory_space<vmem>>
        %dma_wait3A_294 = tpu.memref_squeeze %dma_wait3A_293 : memref<1x128x128xf32, #tpu.memory_space<vmem>> -> memref<128x128xf32, #tpu.memory_space<vmem>>
        %dma_wait3A_295 = arith.constant 0 : i32
        %dma_wait3A_296 = tpu.memref_slice %arg5[%add3A_84, %dma_wait3A_295] : memref<200x128xi32, #tpu.memory_space<vmem>> -> memref<1x128xi32, #tpu.memory_space<vmem>>
        %dma_wait3A_297 = tpu.memref_squeeze %dma_wait3A_296 : memref<1x128xi32, #tpu.memory_space<vmem>> -> memref<128xi32, #tpu.memory_space<vmem>>
        %dma_wait3A_298 = arith.constant 0 : i32
        %dma_wait3A_299 = arith.constant 0 : i32
        %dma_wait3A_300 = tpu.memref_slice %arg7[%dma_wait3A_298, %dma_wait3A_299] : memref<1536x128xf32, #tpu.memory_space<vmem_shared>> -> memref<1536x128xf32, #tpu.memory_space<vmem_shared>>
        tpu.wait_indirect_dma semaphore(%arg8 : memref<!tpu.dma_semaphore, #tpu.memory_space<semaphore_mem>>) src(%dma_wait3A_300 : memref<1536x128xf32, #tpu.memory_space<vmem_shared>>) dst(%dma_wait3A_294 : memref<128x128xf32, #tpu.memory_space<vmem>>)
      } else {
      }
      %mul3A_102 = arith.constant 128 : i32
      %mul3A_103 = arith.muli %add3A_84, %mul3A_102 : i32
      %add3A_104 = arith.addi %mul3A_2, %mul3A_103 : i32
      %dma_start3A_105 = arith.constant 0 : i32
      %dma_start3A_106 = arith.constant 0 : i32
      %dma_start3A_107 = arith.constant 0 : i32
      %dma_start3A_108 = tpu.memref_slice %arg6[%dma_start3A_105, %dma_start3A_106, %dma_start3A_107] : memref<5x128x128xf32, #tpu.memory_space<vmem>> -> memref<1x128x128xf32, #tpu.memory_space<vmem>>
      %dma_start3A_109 = tpu.memref_squeeze %dma_start3A_108 : memref<1x128x128xf32, #tpu.memory_space<vmem>> -> memref<128x128xf32, #tpu.memory_space<vmem>>
      %dma_start3A_110 = arith.constant 0 : i32
      %dma_start3A_111 = tpu.memref_slice %arg4[%add3A_104, %dma_start3A_110] : memref<819200x128xf32, #tpu.memory_space<hbm>> -> memref<128x128xf32, #tpu.memory_space<hbm>>
      %dma_start3A_112 = arith.constant 0 : i32
      %dma_start3A_113 = tpu.memref_slice %arg4[%add3A_104, %dma_start3A_112] : memref<819200x128xf32, #tpu.memory_space<hbm>> -> memref<128x128xf32, #tpu.memory_space<hbm>>
      %dma_start3A_114 = arith.constant 0 : i32
      %dma_start3A_115 = arith.constant 0 : i32
      %dma_start3A_116 = tpu.memref_slice %arg6[%dma_start3A_105, %dma_start3A_114, %dma_start3A_115] : memref<5x128x128xf32, #tpu.memory_space<vmem>> -> memref<1x128x128xf32, #tpu.memory_space<vmem>>
      %dma_start3A_117 = tpu.memref_squeeze %dma_start3A_116 : memref<1x128x128xf32, #tpu.memory_space<vmem>> -> memref<128x128xf32, #tpu.memory_space<vmem>>
      tpu.enqueue_dma source(%dma_start3A_117 : memref<128x128xf32, #tpu.memory_space<vmem>>) target(%dma_start3A_113 : memref<128x128xf32, #tpu.memory_space<hbm>>) target_semaphore(%arg10 : memref<!tpu.dma_semaphore, #tpu.memory_space<semaphore_mem>>)
      %mul3A_118 = arith.constant 5 : i32
      %mul3A_119 = arith.muli %mul3A_118, %scan3A_80 : i32
      %add3A_120 = arith.constant 1 : i32
      %add3A_121 = arith.addi %mul3A_119, %add3A_120 : i32
      %ge3A_122 = arith.constant 3 : i32
      %ge3A_123 = arith.cmpi sge, %add3A_121, %ge3A_122 : i32
      %convert_element_type3A_124 = arith.extui %ge3A_123 : i1 to i32
      %cond3A_125 = arith.constant 0 : i32
      %cond3A_126 = arith.cmpi ne, %convert_element_type3A_124, %cond3A_125 : i32
      scf.if %cond3A_126 {
        %sub3A = arith.constant 3 : i32
        %sub3A_290 = arith.subi %add3A_121, %sub3A : i32
        %max3A = arith.constant 0 : i32
        %max3A_291 = arith.maxsi %sub3A_290, %max3A : i32
        %mul3A_292 = arith.constant 128 : i32
        %mul3A_293 = arith.muli %max3A_291, %mul3A_292 : i32
        %add3A_294 = arith.addi %mul3A_2, %mul3A_293 : i32
        %dma_wait3A_295 = arith.constant 3 : i32
        %dma_wait3A_296 = arith.constant 0 : i32
        %dma_wait3A_297 = arith.constant 0 : i32
        %dma_wait3A_298 = tpu.memref_slice %arg6[%dma_wait3A_295, %dma_wait3A_296, %dma_wait3A_297] : memref<5x128x128xf32, #tpu.memory_space<vmem>> -> memref<1x128x128xf32, #tpu.memory_space<vmem>>
        %dma_wait3A_299 = tpu.memref_squeeze %dma_wait3A_298 : memref<1x128x128xf32, #tpu.memory_space<vmem>> -> memref<128x128xf32, #tpu.memory_space<vmem>>
        %dma_wait3A_300 = arith.constant 0 : i32
        %dma_wait3A_301 = tpu.memref_slice %arg4[%add3A_294, %dma_wait3A_300] : memref<819200x128xf32, #tpu.memory_space<hbm>> -> memref<128x128xf32, #tpu.memory_space<hbm>>
        %dma_wait3A_302 = arith.constant 0 : i32
        %dma_wait3A_303 = tpu.memref_slice %arg4[%add3A_294, %dma_wait3A_302] : memref<819200x128xf32, #tpu.memory_space<hbm>> -> memref<128x128xf32, #tpu.memory_space<hbm>>
        %dma_wait3A_304 = arith.constant 0 : i32
        %dma_wait3A_305 = arith.constant 0 : i32
        %dma_wait3A_306 = tpu.memref_slice %arg6[%dma_wait3A_295, %dma_wait3A_304, %dma_wait3A_305] : memref<5x128x128xf32, #tpu.memory_space<vmem>> -> memref<1x128x128xf32, #tpu.memory_space<vmem>>
        %dma_wait3A_307 = tpu.memref_squeeze %dma_wait3A_306 : memref<1x128x128xf32, #tpu.memory_space<vmem>> -> memref<128x128xf32, #tpu.memory_space<vmem>>
        tpu.wait_dma2 semaphore(%arg10 : memref<!tpu.dma_semaphore, #tpu.memory_space<semaphore_mem>>) src(%dma_wait3A_307 : memref<128x128xf32, #tpu.memory_space<vmem>>) dst(%dma_wait3A_303 : memref<128x128xf32, #tpu.memory_space<hbm>>)
      } else {
      }
      %add3A_127 = arith.constant 2 : i32
      %add3A_128 = arith.addi %add3A_121, %add3A_127 : i32
      %lt3A_129 = arith.constant 200 : i32
      %lt3A_130 = arith.cmpi slt, %add3A_128, %lt3A_129 : i32
      %convert_element_type3A_131 = arith.extui %lt3A_130 : i1 to i32
      %cond3A_132 = arith.constant 0 : i32
      %cond3A_133 = arith.cmpi ne, %convert_element_type3A_131, %cond3A_132 : i32
      scf.if %cond3A_133 {
        %add3A_290 = arith.constant 2 : i32
        %add3A_291 = arith.addi %add3A_121, %add3A_290 : i32
        %min3A = arith.constant 199 : i32
        %min3A_292 = arith.minsi %add3A_291, %min3A : i32
        %dma_start3A_293 = arith.constant 3 : i32
        %dma_start3A_294 = arith.constant 0 : i32
        %dma_start3A_295 = arith.constant 0 : i32
        %dma_start3A_296 = tpu.memref_slice %arg6[%dma_start3A_293, %dma_start3A_294, %dma_start3A_295] : memref<5x128x128xf32, #tpu.memory_space<vmem>> -> memref<1x128x128xf32, #tpu.memory_space<vmem>>
        %dma_start3A_297 = tpu.memref_squeeze %dma_start3A_296 : memref<1x128x128xf32, #tpu.memory_space<vmem>> -> memref<128x128xf32, #tpu.memory_space<vmem>>
        %dma_start3A_298 = arith.constant 0 : i32
        %dma_start3A_299 = tpu.memref_slice %arg5[%min3A_292, %dma_start3A_298] : memref<200x128xi32, #tpu.memory_space<vmem>> -> memref<1x128xi32, #tpu.memory_space<vmem>>
        %dma_start3A_300 = tpu.memref_squeeze %dma_start3A_299 : memref<1x128xi32, #tpu.memory_space<vmem>> -> memref<128xi32, #tpu.memory_space<vmem>>
        %dma_start3A_301 = arith.constant 0 : i32
        %dma_start3A_302 = arith.constant 0 : i32
        %dma_start3A_303 = tpu.memref_slice %arg7[%dma_start3A_301, %dma_start3A_302] : memref<1536x128xf32, #tpu.memory_space<vmem_shared>> -> memref<1536x128xf32, #tpu.memory_space<vmem_shared>>
        tpu.enqueue_indirect_dma source(%dma_start3A_303 : memref<1536x128xf32, #tpu.memory_space<vmem_shared>>) target(%dma_start3A_297 : memref<128x128xf32, #tpu.memory_space<vmem>>) offsets(%dma_start3A_300 : memref<128xi32, #tpu.memory_space<vmem>>) semaphore(%arg8 : memref<!tpu.dma_semaphore, #tpu.memory_space<semaphore_mem>>)
      } else {
      }
      %dma_wait3A_134 = arith.constant 1 : i32
      %dma_wait3A_135 = arith.constant 0 : i32
      %dma_wait3A_136 = arith.constant 0 : i32
      %dma_wait3A_137 = tpu.memref_slice %arg6[%dma_wait3A_134, %dma_wait3A_135, %dma_wait3A_136] : memref<5x128x128xf32, #tpu.memory_space<vmem>> -> memref<1x128x128xf32, #tpu.memory_space<vmem>>
      %dma_wait3A_138 = tpu.memref_squeeze %dma_wait3A_137 : memref<1x128x128xf32, #tpu.memory_space<vmem>> -> memref<128x128xf32, #tpu.memory_space<vmem>>
      %dma_wait3A_139 = arith.constant 0 : i32
      %dma_wait3A_140 = tpu.memref_slice %arg5[%add3A_121, %dma_wait3A_139] : memref<200x128xi32, #tpu.memory_space<vmem>> -> memref<1x128xi32, #tpu.memory_space<vmem>>
      %dma_wait3A_141 = tpu.memref_squeeze %dma_wait3A_140 : memref<1x128xi32, #tpu.memory_space<vmem>> -> memref<128xi32, #tpu.memory_space<vmem>>
      %dma_wait3A_142 = arith.constant 0 : i32
      %dma_wait3A_143 = arith.constant 0 : i32
      %dma_wait3A_144 = tpu.memref_slice %arg7[%dma_wait3A_142, %dma_wait3A_143] : memref<1536x128xf32, #tpu.memory_space<vmem_shared>> -> memref<1536x128xf32, #tpu.memory_space<vmem_shared>>
      tpu.wait_indirect_dma semaphore(%arg8 : memref<!tpu.dma_semaphore, #tpu.memory_space<semaphore_mem>>) src(%dma_wait3A_144 : memref<1536x128xf32, #tpu.memory_space<vmem_shared>>) dst(%dma_wait3A_138 : memref<128x128xf32, #tpu.memory_space<vmem>>)
      %mul3A_145 = arith.constant 128 : i32
      %mul3A_146 = arith.muli %add3A_121, %mul3A_145 : i32
      %add3A_147 = arith.addi %mul3A_2, %mul3A_146 : i32
      %dma_start3A_148 = arith.constant 1 : i32
      %dma_start3A_149 = arith.constant 0 : i32
      %dma_start3A_150 = arith.constant 0 : i32
      %dma_start3A_151 = tpu.memref_slice %arg6[%dma_start3A_148, %dma_start3A_149, %dma_start3A_150] : memref<5x128x128xf32, #tpu.memory_space<vmem>> -> memref<1x128x128xf32, #tpu.memory_space<vmem>>
      %dma_start3A_152 = tpu.memref_squeeze %dma_start3A_151 : memref<1x128x128xf32, #tpu.memory_space<vmem>> -> memref<128x128xf32, #tpu.memory_space<vmem>>
      %dma_start3A_153 = arith.constant 0 : i32
      %dma_start3A_154 = tpu.memref_slice %arg4[%add3A_147, %dma_start3A_153] : memref<819200x128xf32, #tpu.memory_space<hbm>> -> memref<128x128xf32, #tpu.memory_space<hbm>>
      %dma_start3A_155 = arith.constant 0 : i32
      %dma_start3A_156 = tpu.memref_slice %arg4[%add3A_147, %dma_start3A_155] : memref<819200x128xf32, #tpu.memory_space<hbm>> -> memref<128x128xf32, #tpu.memory_space<hbm>>
      %dma_start3A_157 = arith.constant 0 : i32
      %dma_start3A_158 = arith.constant 0 : i32
      %dma_start3A_159 = tpu.memref_slice %arg6[%dma_start3A_148, %dma_start3A_157, %dma_start3A_158] : memref<5x128x128xf32, #tpu.memory_space<vmem>> -> memref<1x128x128xf32, #tpu.memory_space<vmem>>
      %dma_start3A_160 = tpu.memref_squeeze %dma_start3A_159 : memref<1x128x128xf32, #tpu.memory_space<vmem>> -> memref<128x128xf32, #tpu.memory_space<vmem>>
      tpu.enqueue_dma source(%dma_start3A_160 : memref<128x128xf32, #tpu.memory_space<vmem>>) target(%dma_start3A_156 : memref<128x128xf32, #tpu.memory_space<hbm>>) target_semaphore(%arg10 : memref<!tpu.dma_semaphore, #tpu.memory_space<semaphore_mem>>)
      %mul3A_161 = arith.constant 5 : i32
      %mul3A_162 = arith.muli %mul3A_161, %scan3A_80 : i32
      %add3A_163 = arith.constant 2 : i32
      %add3A_164 = arith.addi %mul3A_162, %add3A_163 : i32
      %ge3A_165 = arith.constant 3 : i32
      %ge3A_166 = arith.cmpi sge, %add3A_164, %ge3A_165 : i32
      %convert_element_type3A_167 = arith.extui %ge3A_166 : i1 to i32
      %cond3A_168 = arith.constant 0 : i32
      %cond3A_169 = arith.cmpi ne, %convert_element_type3A_167, %cond3A_168 : i32
      scf.if %cond3A_169 {
        %sub3A = arith.constant 3 : i32
        %sub3A_290 = arith.subi %add3A_164, %sub3A : i32
        %max3A = arith.constant 0 : i32
        %max3A_291 = arith.maxsi %sub3A_290, %max3A : i32
        %mul3A_292 = arith.constant 128 : i32
        %mul3A_293 = arith.muli %max3A_291, %mul3A_292 : i32
        %add3A_294 = arith.addi %mul3A_2, %mul3A_293 : i32
        %dma_wait3A_295 = arith.constant 4 : i32
        %dma_wait3A_296 = arith.constant 0 : i32
        %dma_wait3A_297 = arith.constant 0 : i32
        %dma_wait3A_298 = tpu.memref_slice %arg6[%dma_wait3A_295, %dma_wait3A_296, %dma_wait3A_297] : memref<5x128x128xf32, #tpu.memory_space<vmem>> -> memref<1x128x128xf32, #tpu.memory_space<vmem>>
        %dma_wait3A_299 = tpu.memref_squeeze %dma_wait3A_298 : memref<1x128x128xf32, #tpu.memory_space<vmem>> -> memref<128x128xf32, #tpu.memory_space<vmem>>
        %dma_wait3A_300 = arith.constant 0 : i32
        %dma_wait3A_301 = tpu.memref_slice %arg4[%add3A_294, %dma_wait3A_300] : memref<819200x128xf32, #tpu.memory_space<hbm>> -> memref<128x128xf32, #tpu.memory_space<hbm>>
        %dma_wait3A_302 = arith.constant 0 : i32
        %dma_wait3A_303 = tpu.memref_slice %arg4[%add3A_294, %dma_wait3A_302] : memref<819200x128xf32, #tpu.memory_space<hbm>> -> memref<128x128xf32, #tpu.memory_space<hbm>>
        %dma_wait3A_304 = arith.constant 0 : i32
        %dma_wait3A_305 = arith.constant 0 : i32
        %dma_wait3A_306 = tpu.memref_slice %arg6[%dma_wait3A_295, %dma_wait3A_304, %dma_wait3A_305] : memref<5x128x128xf32, #tpu.memory_space<vmem>> -> memref<1x128x128xf32, #tpu.memory_space<vmem>>
        %dma_wait3A_307 = tpu.memref_squeeze %dma_wait3A_306 : memref<1x128x128xf32, #tpu.memory_space<vmem>> -> memref<128x128xf32, #tpu.memory_space<vmem>>
        tpu.wait_dma2 semaphore(%arg10 : memref<!tpu.dma_semaphore, #tpu.memory_space<semaphore_mem>>) src(%dma_wait3A_307 : memref<128x128xf32, #tpu.memory_space<vmem>>) dst(%dma_wait3A_303 : memref<128x128xf32, #tpu.memory_space<hbm>>)
      } else {
      }
      %add3A_170 = arith.constant 2 : i32
      %add3A_171 = arith.addi %add3A_164, %add3A_170 : i32
      %lt3A_172 = arith.constant 200 : i32
      %lt3A_173 = arith.cmpi slt, %add3A_171, %lt3A_172 : i32
      %convert_element_type3A_174 = arith.extui %lt3A_173 : i1 to i32
      %cond3A_175 = arith.constant 0 : i32
      %cond3A_176 = arith.cmpi ne, %convert_element_type3A_174, %cond3A_175 : i32
      scf.if %cond3A_176 {
        %add3A_290 = arith.constant 2 : i32
        %add3A_291 = arith.addi %add3A_164, %add3A_290 : i32
        %min3A = arith.constant 199 : i32
        %min3A_292 = arith.minsi %add3A_291, %min3A : i32
        %dma_start3A_293 = arith.constant 4 : i32
        %dma_start3A_294 = arith.constant 0 : i32
        %dma_start3A_295 = arith.constant 0 : i32
        %dma_start3A_296 = tpu.memref_slice %arg6[%dma_start3A_293, %dma_start3A_294, %dma_start3A_295] : memref<5x128x128xf32, #tpu.memory_space<vmem>> -> memref<1x128x128xf32, #tpu.memory_space<vmem>>
        %dma_start3A_297 = tpu.memref_squeeze %dma_start3A_296 : memref<1x128x128xf32, #tpu.memory_space<vmem>> -> memref<128x128xf32, #tpu.memory_space<vmem>>
        %dma_start3A_298 = arith.constant 0 : i32
        %dma_start3A_299 = tpu.memref_slice %arg5[%min3A_292, %dma_start3A_298] : memref<200x128xi32, #tpu.memory_space<vmem>> -> memref<1x128xi32, #tpu.memory_space<vmem>>
        %dma_start3A_300 = tpu.memref_squeeze %dma_start3A_299 : memref<1x128xi32, #tpu.memory_space<vmem>> -> memref<128xi32, #tpu.memory_space<vmem>>
        %dma_start3A_301 = arith.constant 0 : i32
        %dma_start3A_302 = arith.constant 0 : i32
        %dma_start3A_303 = tpu.memref_slice %arg7[%dma_start3A_301, %dma_start3A_302] : memref<1536x128xf32, #tpu.memory_space<vmem_shared>> -> memref<1536x128xf32, #tpu.memory_space<vmem_shared>>
        tpu.enqueue_indirect_dma source(%dma_start3A_303 : memref<1536x128xf32, #tpu.memory_space<vmem_shared>>) target(%dma_start3A_297 : memref<128x128xf32, #tpu.memory_space<vmem>>) offsets(%dma_start3A_300 : memref<128xi32, #tpu.memory_space<vmem>>) semaphore(%arg8 : memref<!tpu.dma_semaphore, #tpu.memory_space<semaphore_mem>>)
      } else {
      }
      %dma_wait3A_177 = arith.constant 2 : i32
      %dma_wait3A_178 = arith.constant 0 : i32
      %dma_wait3A_179 = arith.constant 0 : i32
      %dma_wait3A_180 = tpu.memref_slice %arg6[%dma_wait3A_177, %dma_wait3A_178, %dma_wait3A_179] : memref<5x128x128xf32, #tpu.memory_space<vmem>> -> memref<1x128x128xf32, #tpu.memory_space<vmem>>
      %dma_wait3A_181 = tpu.memref_squeeze %dma_wait3A_180 : memref<1x128x128xf32, #tpu.memory_space<vmem>> -> memref<128x128xf32, #tpu.memory_space<vmem>>
      %dma_wait3A_182 = arith.constant 0 : i32
      %dma_wait3A_183 = tpu.memref_slice %arg5[%add3A_164, %dma_wait3A_182] : memref<200x128xi32, #tpu.memory_space<vmem>> -> memref<1x128xi32, #tpu.memory_space<vmem>>
      %dma_wait3A_184 = tpu.memref_squeeze %dma_wait3A_183 : memref<1x128xi32, #tpu.memory_space<vmem>> -> memref<128xi32, #tpu.memory_space<vmem>>
      %dma_wait3A_185 = arith.constant 0 : i32
      %dma_wait3A_186 = arith.constant 0 : i32
      %dma_wait3A_187 = tpu.memref_slice %arg7[%dma_wait3A_185, %dma_wait3A_186] : memref<1536x128xf32, #tpu.memory_space<vmem_shared>> -> memref<1536x128xf32, #tpu.memory_space<vmem_shared>>
      tpu.wait_indirect_dma semaphore(%arg8 : memref<!tpu.dma_semaphore, #tpu.memory_space<semaphore_mem>>) src(%dma_wait3A_187 : memref<1536x128xf32, #tpu.memory_space<vmem_shared>>) dst(%dma_wait3A_181 : memref<128x128xf32, #tpu.memory_space<vmem>>)
      %mul3A_188 = arith.constant 128 : i32
      %mul3A_189 = arith.muli %add3A_164, %mul3A_188 : i32
      %add3A_190 = arith.addi %mul3A_2, %mul3A_189 : i32
      %dma_start3A_191 = arith.constant 2 : i32
      %dma_start3A_192 = arith.constant 0 : i32
      %dma_start3A_193 = arith.constant 0 : i32
      %dma_start3A_194 = tpu.memref_slice %arg6[%dma_start3A_191, %dma_start3A_192, %dma_start3A_193] : memref<5x128x128xf32, #tpu.memory_space<vmem>> -> memref<1x128x128xf32, #tpu.memory_space<vmem>>
      %dma_start3A_195 = tpu.memref_squeeze %dma_start3A_194 : memref<1x128x128xf32, #tpu.memory_space<vmem>> -> memref<128x128xf32, #tpu.memory_space<vmem>>
      %dma_start3A_196 = arith.constant 0 : i32
      %dma_start3A_197 = tpu.memref_slice %arg4[%add3A_190, %dma_start3A_196] : memref<819200x128xf32, #tpu.memory_space<hbm>> -> memref<128x128xf32, #tpu.memory_space<hbm>>
      %dma_start3A_198 = arith.constant 0 : i32
      %dma_start3A_199 = tpu.memref_slice %arg4[%add3A_190, %dma_start3A_198] : memref<819200x128xf32, #tpu.memory_space<hbm>> -> memref<128x128xf32, #tpu.memory_space<hbm>>
      %dma_start3A_200 = arith.constant 0 : i32
      %dma_start3A_201 = arith.constant 0 : i32
      %dma_start3A_202 = tpu.memref_slice %arg6[%dma_start3A_191, %dma_start3A_200, %dma_start3A_201] : memref<5x128x128xf32, #tpu.memory_space<vmem>> -> memref<1x128x128xf32, #tpu.memory_space<vmem>>
      %dma_start3A_203 = tpu.memref_squeeze %dma_start3A_202 : memref<1x128x128xf32, #tpu.memory_space<vmem>> -> memref<128x128xf32, #tpu.memory_space<vmem>>
      tpu.enqueue_dma source(%dma_start3A_203 : memref<128x128xf32, #tpu.memory_space<vmem>>) target(%dma_start3A_199 : memref<128x128xf32, #tpu.memory_space<hbm>>) target_semaphore(%arg10 : memref<!tpu.dma_semaphore, #tpu.memory_space<semaphore_mem>>)
      %mul3A_204 = arith.constant 5 : i32
      %mul3A_205 = arith.muli %mul3A_204, %scan3A_80 : i32
      %add3A_206 = arith.constant 3 : i32
      %add3A_207 = arith.addi %mul3A_205, %add3A_206 : i32
      %ge3A_208 = arith.constant 3 : i32
      %ge3A_209 = arith.cmpi sge, %add3A_207, %ge3A_208 : i32
      %convert_element_type3A_210 = arith.extui %ge3A_209 : i1 to i32
      %cond3A_211 = arith.constant 0 : i32
      %cond3A_212 = arith.cmpi ne, %convert_element_type3A_210, %cond3A_211 : i32
      scf.if %cond3A_212 {
        %sub3A = arith.constant 3 : i32
        %sub3A_290 = arith.subi %add3A_207, %sub3A : i32
        %max3A = arith.constant 0 : i32
        %max3A_291 = arith.maxsi %sub3A_290, %max3A : i32
        %mul3A_292 = arith.constant 128 : i32
        %mul3A_293 = arith.muli %max3A_291, %mul3A_292 : i32
        %add3A_294 = arith.addi %mul3A_2, %mul3A_293 : i32
        %dma_wait3A_295 = arith.constant 0 : i32
        %dma_wait3A_296 = arith.constant 0 : i32
        %dma_wait3A_297 = arith.constant 0 : i32
        %dma_wait3A_298 = tpu.memref_slice %arg6[%dma_wait3A_295, %dma_wait3A_296, %dma_wait3A_297] : memref<5x128x128xf32, #tpu.memory_space<vmem>> -> memref<1x128x128xf32, #tpu.memory_space<vmem>>
        %dma_wait3A_299 = tpu.memref_squeeze %dma_wait3A_298 : memref<1x128x128xf32, #tpu.memory_space<vmem>> -> memref<128x128xf32, #tpu.memory_space<vmem>>
        %dma_wait3A_300 = arith.constant 0 : i32
        %dma_wait3A_301 = tpu.memref_slice %arg4[%add3A_294, %dma_wait3A_300] : memref<819200x128xf32, #tpu.memory_space<hbm>> -> memref<128x128xf32, #tpu.memory_space<hbm>>
        %dma_wait3A_302 = arith.constant 0 : i32
        %dma_wait3A_303 = tpu.memref_slice %arg4[%add3A_294, %dma_wait3A_302] : memref<819200x128xf32, #tpu.memory_space<hbm>> -> memref<128x128xf32, #tpu.memory_space<hbm>>
        %dma_wait3A_304 = arith.constant 0 : i32
        %dma_wait3A_305 = arith.constant 0 : i32
        %dma_wait3A_306 = tpu.memref_slice %arg6[%dma_wait3A_295, %dma_wait3A_304, %dma_wait3A_305] : memref<5x128x128xf32, #tpu.memory_space<vmem>> -> memref<1x128x128xf32, #tpu.memory_space<vmem>>
        %dma_wait3A_307 = tpu.memref_squeeze %dma_wait3A_306 : memref<1x128x128xf32, #tpu.memory_space<vmem>> -> memref<128x128xf32, #tpu.memory_space<vmem>>
        tpu.wait_dma2 semaphore(%arg10 : memref<!tpu.dma_semaphore, #tpu.memory_space<semaphore_mem>>) src(%dma_wait3A_307 : memref<128x128xf32, #tpu.memory_space<vmem>>) dst(%dma_wait3A_303 : memref<128x128xf32, #tpu.memory_space<hbm>>)
      } else {
      }
      %add3A_213 = arith.constant 2 : i32
      %add3A_214 = arith.addi %add3A_207, %add3A_213 : i32
      %lt3A_215 = arith.constant 200 : i32
      %lt3A_216 = arith.cmpi slt, %add3A_214, %lt3A_215 : i32
      %convert_element_type3A_217 = arith.extui %lt3A_216 : i1 to i32
      %cond3A_218 = arith.constant 0 : i32
      %cond3A_219 = arith.cmpi ne, %convert_element_type3A_217, %cond3A_218 : i32
      scf.if %cond3A_219 {
        %add3A_290 = arith.constant 2 : i32
        %add3A_291 = arith.addi %add3A_207, %add3A_290 : i32
        %min3A = arith.constant 199 : i32
        %min3A_292 = arith.minsi %add3A_291, %min3A : i32
        %rem3A_293 = arith.constant 4 : i32
        %rem3A_294 = arith.remsi %scan3A_80, %rem3A_293 : i32
        %eq3A_295 = arith.constant 3 : i32
        %eq3A_296 = arith.cmpi eq, %rem3A_294, %eq3A_295 : i32
        %convert_element_type3A_297 = arith.extui %eq3A_296 : i1 to i32
        %cond3A_298 = arith.constant 0 : i32
        %cond3A_299 = arith.constant 0 : i32
        %cond3A_300 = arith.cmpi ne, %convert_element_type3A_297, %cond3A_299 : i32
        scf.if %cond3A_300 {
          %dma_start3A_307 = arith.constant 0 : i32
          %dma_start3A_308 = arith.constant 0 : i32
          %dma_start3A_309 = tpu.memref_slice %arg6[%cond3A_298, %dma_start3A_307, %dma_start3A_308] : memref<5x128x128xf32, #tpu.memory_space<vmem>> -> memref<1x128x128xf32, #tpu.memory_space<vmem>>
          %dma_start3A_310 = tpu.memref_squeeze %dma_start3A_309 : memref<1x128x128xf32, #tpu.memory_space<vmem>> -> memref<128x128xf32, #tpu.memory_space<vmem>>
          %dma_start3A_311 = arith.constant 0 : i32
          %dma_start3A_312 = tpu.memref_slice %arg5[%min3A_292, %dma_start3A_311] : memref<200x128xi32, #tpu.memory_space<vmem>> -> memref<1x128xi32, #tpu.memory_space<vmem>>
          %dma_start3A_313 = tpu.memref_squeeze %dma_start3A_312 : memref<1x128xi32, #tpu.memory_space<vmem>> -> memref<128xi32, #tpu.memory_space<vmem>>
          %dma_start3A_314 = arith.constant 0 : i32
          %dma_start3A_315 = arith.constant 0 : i32
          %dma_start3A_316 = tpu.memref_slice %arg3[%dma_start3A_314, %dma_start3A_315] : memref<1536x128xf32, #tpu.memory_space<hbm>> -> memref<1536x128xf32, #tpu.memory_space<hbm>>
          tpu.enqueue_indirect_dma source(%dma_start3A_316 : memref<1536x128xf32, #tpu.memory_space<hbm>>) target(%dma_start3A_310 : memref<128x128xf32, #tpu.memory_space<vmem>>) offsets(%dma_start3A_313 : memref<128xi32, #tpu.memory_space<vmem>>) semaphore(%arg9 : memref<!tpu.dma_semaphore, #tpu.memory_space<semaphore_mem>>)
        } else {
        }
        %not3A_301 = arith.constant true
        %not3A_302 = arith.xori %eq3A_296, %not3A_301 : i1
        %convert_element_type3A_303 = arith.extui %not3A_302 : i1 to i32
        %cond3A_304 = arith.constant 0 : i32
        %cond3A_305 = arith.constant 0 : i32
        %cond3A_306 = arith.cmpi ne, %convert_element_type3A_303, %cond3A_305 : i32
        scf.if %cond3A_306 {
          %dma_start3A_307 = arith.constant 0 : i32
          %dma_start3A_308 = arith.constant 0 : i32
          %dma_start3A_309 = tpu.memref_slice %arg6[%cond3A_304, %dma_start3A_307, %dma_start3A_308] : memref<5x128x128xf32, #tpu.memory_space<vmem>> -> memref<1x128x128xf32, #tpu.memory_space<vmem>>
          %dma_start3A_310 = tpu.memref_squeeze %dma_start3A_309 : memref<1x128x128xf32, #tpu.memory_space<vmem>> -> memref<128x128xf32, #tpu.memory_space<vmem>>
          %dma_start3A_311 = arith.constant 0 : i32
          %dma_start3A_312 = tpu.memref_slice %arg5[%min3A_292, %dma_start3A_311] : memref<200x128xi32, #tpu.memory_space<vmem>> -> memref<1x128xi32, #tpu.memory_space<vmem>>
          %dma_start3A_313 = tpu.memref_squeeze %dma_start3A_312 : memref<1x128xi32, #tpu.memory_space<vmem>> -> memref<128xi32, #tpu.memory_space<vmem>>
          %dma_start3A_314 = arith.constant 0 : i32
          %dma_start3A_315 = arith.constant 0 : i32
          %dma_start3A_316 = tpu.memref_slice %arg7[%dma_start3A_314, %dma_start3A_315] : memref<1536x128xf32, #tpu.memory_space<vmem_shared>> -> memref<1536x128xf32, #tpu.memory_space<vmem_shared>>
          tpu.enqueue_indirect_dma source(%dma_start3A_316 : memref<1536x128xf32, #tpu.memory_space<vmem_shared>>) target(%dma_start3A_310 : memref<128x128xf32, #tpu.memory_space<vmem>>) offsets(%dma_start3A_313 : memref<128xi32, #tpu.memory_space<vmem>>) semaphore(%arg8 : memref<!tpu.dma_semaphore, #tpu.memory_space<semaphore_mem>>)
        } else {
        }
      } else {
      }
      %dma_wait3A_220 = arith.constant 3 : i32
      %dma_wait3A_221 = arith.constant 0 : i32
      %dma_wait3A_222 = arith.constant 0 : i32
      %dma_wait3A_223 = tpu.memref_slice %arg6[%dma_wait3A_220, %dma_wait3A_221, %dma_wait3A_222] : memref<5x128x128xf32, #tpu.memory_space<vmem>> -> memref<1x128x128xf32, #tpu.memory_space<vmem>>
      %dma_wait3A_224 = tpu.memref_squeeze %dma_wait3A_223 : memref<1x128x128xf32, #tpu.memory_space<vmem>> -> memref<128x128xf32, #tpu.memory_space<vmem>>
      %dma_wait3A_225 = arith.constant 0 : i32
      %dma_wait3A_226 = tpu.memref_slice %arg5[%add3A_207, %dma_wait3A_225] : memref<200x128xi32, #tpu.memory_space<vmem>> -> memref<1x128xi32, #tpu.memory_space<vmem>>
      %dma_wait3A_227 = tpu.memref_squeeze %dma_wait3A_226 : memref<1x128xi32, #tpu.memory_space<vmem>> -> memref<128xi32, #tpu.memory_space<vmem>>
      %dma_wait3A_228 = arith.constant 0 : i32
      %dma_wait3A_229 = arith.constant 0 : i32
      %dma_wait3A_230 = tpu.memref_slice %arg7[%dma_wait3A_228, %dma_wait3A_229] : memref<1536x128xf32, #tpu.memory_space<vmem_shared>> -> memref<1536x128xf32, #tpu.memory_space<vmem_shared>>
      tpu.wait_indirect_dma semaphore(%arg8 : memref<!tpu.dma_semaphore, #tpu.memory_space<semaphore_mem>>) src(%dma_wait3A_230 : memref<1536x128xf32, #tpu.memory_space<vmem_shared>>) dst(%dma_wait3A_224 : memref<128x128xf32, #tpu.memory_space<vmem>>)
      %mul3A_231 = arith.constant 128 : i32
      %mul3A_232 = arith.muli %add3A_207, %mul3A_231 : i32
      %add3A_233 = arith.addi %mul3A_2, %mul3A_232 : i32
      %dma_start3A_234 = arith.constant 3 : i32
      %dma_start3A_235 = arith.constant 0 : i32
      %dma_start3A_236 = arith.constant 0 : i32
      %dma_start3A_237 = tpu.memref_slice %arg6[%dma_start3A_234, %dma_start3A_235, %dma_start3A_236] : memref<5x128x128xf32, #tpu.memory_space<vmem>> -> memref<1x128x128xf32, #tpu.memory_space<vmem>>
      %dma_start3A_238 = tpu.memref_squeeze %dma_start3A_237 : memref<1x128x128xf32, #tpu.memory_space<vmem>> -> memref<128x128xf32, #tpu.memory_space<vmem>>
      %dma_start3A_239 = arith.constant 0 : i32
      %dma_start3A_240 = tpu.memref_slice %arg4[%add3A_233, %dma_start3A_239] : memref<819200x128xf32, #tpu.memory_space<hbm>> -> memref<128x128xf32, #tpu.memory_space<hbm>>
      %dma_start3A_241 = arith.constant 0 : i32
      %dma_start3A_242 = tpu.memref_slice %arg4[%add3A_233, %dma_start3A_241] : memref<819200x128xf32, #tpu.memory_space<hbm>> -> memref<128x128xf32, #tpu.memory_space<hbm>>
      %dma_start3A_243 = arith.constant 0 : i32
      %dma_start3A_244 = arith.constant 0 : i32
      %dma_start3A_245 = tpu.memref_slice %arg6[%dma_start3A_234, %dma_start3A_243, %dma_start3A_244] : memref<5x128x128xf32, #tpu.memory_space<vmem>> -> memref<1x128x128xf32, #tpu.memory_space<vmem>>
      %dma_start3A_246 = tpu.memref_squeeze %dma_start3A_245 : memref<1x128x128xf32, #tpu.memory_space<vmem>> -> memref<128x128xf32, #tpu.memory_space<vmem>>
      tpu.enqueue_dma source(%dma_start3A_246 : memref<128x128xf32, #tpu.memory_space<vmem>>) target(%dma_start3A_242 : memref<128x128xf32, #tpu.memory_space<hbm>>) target_semaphore(%arg10 : memref<!tpu.dma_semaphore, #tpu.memory_space<semaphore_mem>>)
      %mul3A_247 = arith.constant 5 : i32
      %mul3A_248 = arith.muli %mul3A_247, %scan3A_80 : i32
      %add3A_249 = arith.constant 4 : i32
      %add3A_250 = arith.addi %mul3A_248, %add3A_249 : i32
      %ge3A_251 = arith.constant 3 : i32
      %ge3A_252 = arith.cmpi sge, %add3A_250, %ge3A_251 : i32
      %convert_element_type3A_253 = arith.extui %ge3A_252 : i1 to i32
      %cond3A_254 = arith.constant 0 : i32
      %cond3A_255 = arith.cmpi ne, %convert_element_type3A_253, %cond3A_254 : i32
      scf.if %cond3A_255 {
        %sub3A = arith.constant 3 : i32
        %sub3A_290 = arith.subi %add3A_250, %sub3A : i32
        %max3A = arith.constant 0 : i32
        %max3A_291 = arith.maxsi %sub3A_290, %max3A : i32
        %mul3A_292 = arith.constant 128 : i32
        %mul3A_293 = arith.muli %max3A_291, %mul3A_292 : i32
        %add3A_294 = arith.addi %mul3A_2, %mul3A_293 : i32
        %dma_wait3A_295 = arith.constant 1 : i32
        %dma_wait3A_296 = arith.constant 0 : i32
        %dma_wait3A_297 = arith.constant 0 : i32
        %dma_wait3A_298 = tpu.memref_slice %arg6[%dma_wait3A_295, %dma_wait3A_296, %dma_wait3A_297] : memref<5x128x128xf32, #tpu.memory_space<vmem>> -> memref<1x128x128xf32, #tpu.memory_space<vmem>>
        %dma_wait3A_299 = tpu.memref_squeeze %dma_wait3A_298 : memref<1x128x128xf32, #tpu.memory_space<vmem>> -> memref<128x128xf32, #tpu.memory_space<vmem>>
        %dma_wait3A_300 = arith.constant 0 : i32
        %dma_wait3A_301 = tpu.memref_slice %arg4[%add3A_294, %dma_wait3A_300] : memref<819200x128xf32, #tpu.memory_space<hbm>> -> memref<128x128xf32, #tpu.memory_space<hbm>>
        %dma_wait3A_302 = arith.constant 0 : i32
        %dma_wait3A_303 = tpu.memref_slice %arg4[%add3A_294, %dma_wait3A_302] : memref<819200x128xf32, #tpu.memory_space<hbm>> -> memref<128x128xf32, #tpu.memory_space<hbm>>
        %dma_wait3A_304 = arith.constant 0 : i32
        %dma_wait3A_305 = arith.constant 0 : i32
        %dma_wait3A_306 = tpu.memref_slice %arg6[%dma_wait3A_295, %dma_wait3A_304, %dma_wait3A_305] : memref<5x128x128xf32, #tpu.memory_space<vmem>> -> memref<1x128x128xf32, #tpu.memory_space<vmem>>
        %dma_wait3A_307 = tpu.memref_squeeze %dma_wait3A_306 : memref<1x128x128xf32, #tpu.memory_space<vmem>> -> memref<128x128xf32, #tpu.memory_space<vmem>>
        tpu.wait_dma2 semaphore(%arg10 : memref<!tpu.dma_semaphore, #tpu.memory_space<semaphore_mem>>) src(%dma_wait3A_307 : memref<128x128xf32, #tpu.memory_space<vmem>>) dst(%dma_wait3A_303 : memref<128x128xf32, #tpu.memory_space<hbm>>)
      } else {
      }
      %add3A_256 = arith.constant 2 : i32
      %add3A_257 = arith.addi %add3A_250, %add3A_256 : i32
      %lt3A_258 = arith.constant 200 : i32
      %lt3A_259 = arith.cmpi slt, %add3A_257, %lt3A_258 : i32
      %convert_element_type3A_260 = arith.extui %lt3A_259 : i1 to i32
      %cond3A_261 = arith.constant 0 : i32
      %cond3A_262 = arith.cmpi ne, %convert_element_type3A_260, %cond3A_261 : i32
      scf.if %cond3A_262 {
        %add3A_290 = arith.constant 2 : i32
        %add3A_291 = arith.addi %add3A_250, %add3A_290 : i32
        %min3A = arith.constant 199 : i32
        %min3A_292 = arith.minsi %add3A_291, %min3A : i32
        %dma_start3A_293 = arith.constant 1 : i32
        %dma_start3A_294 = arith.constant 0 : i32
        %dma_start3A_295 = arith.constant 0 : i32
        %dma_start3A_296 = tpu.memref_slice %arg6[%dma_start3A_293, %dma_start3A_294, %dma_start3A_295] : memref<5x128x128xf32, #tpu.memory_space<vmem>> -> memref<1x128x128xf32, #tpu.memory_space<vmem>>
        %dma_start3A_297 = tpu.memref_squeeze %dma_start3A_296 : memref<1x128x128xf32, #tpu.memory_space<vmem>> -> memref<128x128xf32, #tpu.memory_space<vmem>>
        %dma_start3A_298 = arith.constant 0 : i32
        %dma_start3A_299 = tpu.memref_slice %arg5[%min3A_292, %dma_start3A_298] : memref<200x128xi32, #tpu.memory_space<vmem>> -> memref<1x128xi32, #tpu.memory_space<vmem>>
        %dma_start3A_300 = tpu.memref_squeeze %dma_start3A_299 : memref<1x128xi32, #tpu.memory_space<vmem>> -> memref<128xi32, #tpu.memory_space<vmem>>
        %dma_start3A_301 = arith.constant 0 : i32
        %dma_start3A_302 = arith.constant 0 : i32
        %dma_start3A_303 = tpu.memref_slice %arg7[%dma_start3A_301, %dma_start3A_302] : memref<1536x128xf32, #tpu.memory_space<vmem_shared>> -> memref<1536x128xf32, #tpu.memory_space<vmem_shared>>
        tpu.enqueue_indirect_dma source(%dma_start3A_303 : memref<1536x128xf32, #tpu.memory_space<vmem_shared>>) target(%dma_start3A_297 : memref<128x128xf32, #tpu.memory_space<vmem>>) offsets(%dma_start3A_300 : memref<128xi32, #tpu.memory_space<vmem>>) semaphore(%arg8 : memref<!tpu.dma_semaphore, #tpu.memory_space<semaphore_mem>>)
      } else {
      }
      %dma_wait3A_263 = arith.constant 4 : i32
      %dma_wait3A_264 = arith.constant 0 : i32
      %dma_wait3A_265 = arith.constant 0 : i32
      %dma_wait3A_266 = tpu.memref_slice %arg6[%dma_wait3A_263, %dma_wait3A_264, %dma_wait3A_265] : memref<5x128x128xf32, #tpu.memory_space<vmem>> -> memref<1x128x128xf32, #tpu.memory_space<vmem>>
      %dma_wait3A_267 = tpu.memref_squeeze %dma_wait3A_266 : memref<1x128x128xf32, #tpu.memory_space<vmem>> -> memref<128x128xf32, #tpu.memory_space<vmem>>
      %dma_wait3A_268 = arith.constant 0 : i32
      %dma_wait3A_269 = tpu.memref_slice %arg5[%add3A_250, %dma_wait3A_268] : memref<200x128xi32, #tpu.memory_space<vmem>> -> memref<1x128xi32, #tpu.memory_space<vmem>>
      %dma_wait3A_270 = tpu.memref_squeeze %dma_wait3A_269 : memref<1x128xi32, #tpu.memory_space<vmem>> -> memref<128xi32, #tpu.memory_space<vmem>>
      %dma_wait3A_271 = arith.constant 0 : i32
      %dma_wait3A_272 = arith.constant 0 : i32
      %dma_wait3A_273 = tpu.memref_slice %arg7[%dma_wait3A_271, %dma_wait3A_272] : memref<1536x128xf32, #tpu.memory_space<vmem_shared>> -> memref<1536x128xf32, #tpu.memory_space<vmem_shared>>
      tpu.wait_indirect_dma semaphore(%arg8 : memref<!tpu.dma_semaphore, #tpu.memory_space<semaphore_mem>>) src(%dma_wait3A_273 : memref<1536x128xf32, #tpu.memory_space<vmem_shared>>) dst(%dma_wait3A_267 : memref<128x128xf32, #tpu.memory_space<vmem>>)
      %mul3A_274 = arith.constant 128 : i32
      %mul3A_275 = arith.muli %add3A_250, %mul3A_274 : i32
      %add3A_276 = arith.addi %mul3A_2, %mul3A_275 : i32
      %dma_start3A_277 = arith.constant 4 : i32
      %dma_start3A_278 = arith.constant 0 : i32
      %dma_start3A_279 = arith.constant 0 : i32
      %dma_start3A_280 = tpu.memref_slice %arg6[%dma_start3A_277, %dma_start3A_278, %dma_start3A_279] : memref<5x128x128xf32, #tpu.memory_space<vmem>> -> memref<1x128x128xf32, #tpu.memory_space<vmem>>
      %dma_start3A_281 = tpu.memref_squeeze %dma_start3A_280 : memref<1x128x128xf32, #tpu.memory_space<vmem>> -> memref<128x128xf32, #tpu.memory_space<vmem>>
      %dma_start3A_282 = arith.constant 0 : i32
      %dma_start3A_283 = tpu.memref_slice %arg4[%add3A_276, %dma_start3A_282] : memref<819200x128xf32, #tpu.memory_space<hbm>> -> memref<128x128xf32, #tpu.memory_space<hbm>>
      %dma_start3A_284 = arith.constant 0 : i32
      %dma_start3A_285 = tpu.memref_slice %arg4[%add3A_276, %dma_start3A_284] : memref<819200x128xf32, #tpu.memory_space<hbm>> -> memref<128x128xf32, #tpu.memory_space<hbm>>
      %dma_start3A_286 = arith.constant 0 : i32
      %dma_start3A_287 = arith.constant 0 : i32
      %dma_start3A_288 = tpu.memref_slice %arg6[%dma_start3A_277, %dma_start3A_286, %dma_start3A_287] : memref<5x128x128xf32, #tpu.memory_space<vmem>> -> memref<1x128x128xf32, #tpu.memory_space<vmem>>
      %dma_start3A_289 = tpu.memref_squeeze %dma_start3A_288 : memref<1x128x128xf32, #tpu.memory_space<vmem>> -> memref<128x128xf32, #tpu.memory_space<vmem>>
      tpu.enqueue_dma source(%dma_start3A_289 : memref<128x128xf32, #tpu.memory_space<vmem>>) target(%dma_start3A_285 : memref<128x128xf32, #tpu.memory_space<hbm>>) target_semaphore(%arg10 : memref<!tpu.dma_semaphore, #tpu.memory_space<semaphore_mem>>)
    }
    %scan3A_35 = arith.constant 40 : i32
    %add3A_36 = arith.constant 25216 : i32
    %add3A_37 = arith.addi %mul3A_2, %add3A_36 : i32
    %dma_wait3A = arith.constant 2 : i32
    %dma_wait3A_38 = arith.constant 0 : i32
    %dma_wait3A_39 = arith.constant 0 : i32
    %dma_wait3A_40 = tpu.memref_slice %arg6[%dma_wait3A, %dma_wait3A_38, %dma_wait3A_39] : memref<5x128x128xf32, #tpu.memory_space<vmem>> -> memref<1x128x128xf32, #tpu.memory_space<vmem>>
    %dma_wait3A_41 = tpu.memref_squeeze %dma_wait3A_40 : memref<1x128x128xf32, #tpu.memory_space<vmem>> -> memref<128x128xf32, #tpu.memory_space<vmem>>
    %dma_wait3A_42 = arith.constant 0 : i32
    %dma_wait3A_43 = tpu.memref_slice %arg4[%add3A_37, %dma_wait3A_42] : memref<819200x128xf32, #tpu.memory_space<hbm>> -> memref<128x128xf32, #tpu.memory_space<hbm>>
    %dma_wait3A_44 = arith.constant 0 : i32
    %dma_wait3A_45 = tpu.memref_slice %arg4[%add3A_37, %dma_wait3A_44] : memref<819200x128xf32, #tpu.memory_space<hbm>> -> memref<128x128xf32, #tpu.memory_space<hbm>>
    %dma_wait3A_46 = arith.constant 0 : i32
    %dma_wait3A_47 = arith.constant 0 : i32
    %dma_wait3A_48 = tpu.memref_slice %arg6[%dma_wait3A, %dma_wait3A_46, %dma_wait3A_47] : memref<5x128x128xf32, #tpu.memory_space<vmem>> -> memref<1x128x128xf32, #tpu.memory_space<vmem>>
    %dma_wait3A_49 = tpu.memref_squeeze %dma_wait3A_48 : memref<1x128x128xf32, #tpu.memory_space<vmem>> -> memref<128x128xf32, #tpu.memory_space<vmem>>
    tpu.wait_dma2 semaphore(%arg10 : memref<!tpu.dma_semaphore, #tpu.memory_space<semaphore_mem>>) src(%dma_wait3A_49 : memref<128x128xf32, #tpu.memory_space<vmem>>) dst(%dma_wait3A_45 : memref<128x128xf32, #tpu.memory_space<hbm>>)
    %add3A_50 = arith.constant 25344 : i32
    %add3A_51 = arith.addi %mul3A_2, %add3A_50 : i32
    %dma_wait3A_52 = arith.constant 3 : i32
    %dma_wait3A_53 = arith.constant 0 : i32
    %dma_wait3A_54 = arith.constant 0 : i32
    %dma_wait3A_55 = tpu.memref_slice %arg6[%dma_wait3A_52, %dma_wait3A_53, %dma_wait3A_54] : memref<5x128x128xf32, #tpu.memory_space<vmem>> -> memref<1x128x128xf32, #tpu.memory_space<vmem>>
    %dma_wait3A_56 = tpu.memref_squeeze %dma_wait3A_55 : memref<1x128x128xf32, #tpu.memory_space<vmem>> -> memref<128x128xf32, #tpu.memory_space<vmem>>
    %dma_wait3A_57 = arith.constant 0 : i32
    %dma_wait3A_58 = tpu.memref_slice %arg4[%add3A_51, %dma_wait3A_57] : memref<819200x128xf32, #tpu.memory_space<hbm>> -> memref<128x128xf32, #tpu.memory_space<hbm>>
    %dma_wait3A_59 = arith.constant 0 : i32
    %dma_wait3A_60 = tpu.memref_slice %arg4[%add3A_51, %dma_wait3A_59] : memref<819200x128xf32, #tpu.memory_space<hbm>> -> memref<128x128xf32, #tpu.memory_space<hbm>>
    %dma_wait3A_61 = arith.constant 0 : i32
    %dma_wait3A_62 = arith.constant 0 : i32
    %dma_wait3A_63 = tpu.memref_slice %arg6[%dma_wait3A_52, %dma_wait3A_61, %dma_wait3A_62] : memref<5x128x128xf32, #tpu.memory_space<vmem>> -> memref<1x128x128xf32, #tpu.memory_space<vmem>>
    %dma_wait3A_64 = tpu.memref_squeeze %dma_wait3A_63 : memref<1x128x128xf32, #tpu.memory_space<vmem>> -> memref<128x128xf32, #tpu.memory_space<vmem>>
    tpu.wait_dma2 semaphore(%arg10 : memref<!tpu.dma_semaphore, #tpu.memory_space<semaphore_mem>>) src(%dma_wait3A_64 : memref<128x128xf32, #tpu.memory_space<vmem>>) dst(%dma_wait3A_60 : memref<128x128xf32, #tpu.memory_space<hbm>>)
    %add3A_65 = arith.constant 25472 : i32
    %add3A_66 = arith.addi %mul3A_2, %add3A_65 : i32
    %dma_wait3A_67 = arith.constant 4 : i32
    %dma_wait3A_68 = arith.constant 0 : i32
    %dma_wait3A_69 = arith.constant 0 : i32
    %dma_wait3A_70 = tpu.memref_slice %arg6[%dma_wait3A_67, %dma_wait3A_68, %dma_wait3A_69] : memref<5x128x128xf32, #tpu.memory_space<vmem>> -> memref<1x128x128xf32, #tpu.memory_space<vmem>>
    %dma_wait3A_71 = tpu.memref_squeeze %dma_wait3A_70 : memref<1x128x128xf32, #tpu.memory_space<vmem>> -> memref<128x128xf32, #tpu.memory_space<vmem>>
    %dma_wait3A_72 = arith.constant 0 : i32
    %dma_wait3A_73 = tpu.memref_slice %arg4[%add3A_66, %dma_wait3A_72] : memref<819200x128xf32, #tpu.memory_space<hbm>> -> memref<128x128xf32, #tpu.memory_space<hbm>>
    %dma_wait3A_74 = arith.constant 0 : i32
    %dma_wait3A_75 = tpu.memref_slice %arg4[%add3A_66, %dma_wait3A_74] : memref<819200x128xf32, #tpu.memory_space<hbm>> -> memref<128x128xf32, #tpu.memory_space<hbm>>
    %dma_wait3A_76 = arith.constant 0 : i32
    %dma_wait3A_77 = arith.constant 0 : i32
    %dma_wait3A_78 = tpu.memref_slice %arg6[%dma_wait3A_67, %dma_wait3A_76, %dma_wait3A_77] : memref<5x128x128xf32, #tpu.memory_space<vmem>> -> memref<1x128x128xf32, #tpu.memory_space<vmem>>
    %dma_wait3A_79 = tpu.memref_squeeze %dma_wait3A_78 : memref<1x128x128xf32, #tpu.memory_space<vmem>> -> memref<128x128xf32, #tpu.memory_space<vmem>>
    tpu.wait_dma2 semaphore(%arg10 : memref<!tpu.dma_semaphore, #tpu.memory_space<semaphore_mem>>) src(%dma_wait3A_79 : memref<128x128xf32, #tpu.memory_space<vmem>>) dst(%dma_wait3A_75 : memref<128x128xf32, #tpu.memory_space<hbm>>)
    return
  }
}

</mosaic_0001>

<sc_bundles>
// kernel: kernel.3.cloned.1.call-start
scs
__scs_entry_jumppad:
0x0: {  	(pc) =	sbr.rel $0x88, $3  }
0x1: {  	(tag) =	ssettag $0x0;
	lr =	simm.s32 $0x1  }
0x2: {  	[smem:$0x3F9F] =	sst lr;
	_ =	strace $0xD0000000  }
0x3: {  	_ = 	snop  }
0x4: {  	_ = 	snop  }
0x5: {  	_ = 	snop  }
0x6: {  	_ = 	snop  }
0x7: {  	_ = 	snop  }
__scs_overlays_trampoline_lowered:
0x8: {  	[smem:$0x3FAE] =	sst s0  }
0x9: {  	[smem:$0x3FAF] =	sst s1  }
0xa: {  	[smem:$0x3FB0] =	sst s2  }
0xb: {  	[smem:$0x3FB1] =	sst s3  }
0xc: {  	[smem:$0x3FB2] =	sst s4  }
0xd: {  	[smem:$0x3FB3] =	sst s5  }
0xe: {  	[smem:$0x3FB4] =	sst s6  }
0xf: {  	[smem:$0x3FB5] =	sst s7  }
0x10: {  	[smem:$0x3FB6] =	sst s8  }
0x11: {  	[smem:$0x3FB7] =	sst s9;
	s0 =	simm.s32 @!p0 $0x0  }
0x12: {  	s1 =	sld [smem:$0x3F9D];
	s0 =	simm.s32 @p0 $0x1  }
0x13: {  	[smem:$0x3FB8] =	sst s0;
	s0 =	simm.s32 @!p1 $0x0  }
0x14: {  	s2 =	sld [smem:$0x3F9C];
	s0 =	simm.s32 @p1 $0x1  }
0x15: {  	[smem:$0x3FB9] =	sst s0;
	s0 =	simm.s32 @!p2 $0x0  }
0x16: {  	s3 =	sld [smem:$0x3FDB];
	s0 =	simm.s32 @p2 $0x1  }
0x17: {  	s4 =	simm.s32 $0x1BF5;
	[smem:$0x3FBB] =	sst s0  }
0x18: {  	s0 =	sld [smem:$0x3F9E];
	_ =	swait.ge [sflag:s4], $0x0  }
0x19: {  	s7 =	sld [smem:$0x3F9F]  }
0x1a: {  	s8 =	sadd.s32 $0xFFFFE003, lr  }
0x1b: {  	s9 =	sadd.s32 $0xFFFFFEF7, lr;
	s5 =	simm.s32 $0xFFFFFFFF;
	p2 =	slt.u32 s8, $0xFFFFF086  }
0x1c: {  	p1 =	slt.u32 s9, $0xF7A;
	s5 =	simm.s32 @!p2 $0x0  }
0x1d: {  	s5 =	simm.s32 @p1 $0x1;
	p0 =	seq.s32 s7, s2  }
0x1e: {  	s7 =	smul.u32 @!p0 $0xF7A, s2;
	p2 =	seq.s32 @!p0 s5, $0x0  }
0x1f: {  	s9 =	smul.u32 $0xF7A, s1;
	s8 =	simm.s32 @!p0 $0x1BF5;
	p2 =	por !p2, p0  }
0x20: {  	[sflag:s8] =	ssyncset.s32 @!p0 $0xFFFFF086;
	s6 =	sadd.s32 @!p0 s3, s7;
	s7 =	simm.s32 @!p0 $0x108  }
0x21: {  	s3 =	sadd.s32 s3, s9;
	s6 =	sadd.s32 @!p0 $0x88, s6;
	s7 =	simm.s32 @p2 $0x1082  }
0x22: {  	[simem:s7], [sflag:s8] =	dma.local @!p0 [hbm:s6], $0xF7A  }
0x23: {  	s9 =	sor.u32 $0xD0000000, s2;
	s6 =	simm.s32 $0x108;
	_ =	swait.ge @!p0 [sflag:s8], $0x0  }
0x24: {  	s3 =	sadd.s32 $0x88, s3;
	s6 =	simm.s32 @!p1 $0x1082;
	[sflag:s4] =	ssyncset.s32 $0xFFFFF086  }
0x25: {  	[simem:s6], [sflag:s4] =	dma.local [hbm:s3], $0xF7A  }
0x26: {  	[smem:$0x3F9F] =	sst s1;
	(tag) =	ssettag s2;
	_ =	strace s9  }
0x27: {  	s1 =	sld [smem:$0x3FAF]  }
0x28: {  	s2 =	sld [smem:$0x3FB0]  }
0x29: {  	s4 =	sld [smem:$0x3FB2]  }
0x2a: {  	p0 =	seq.s32 s5, $0x0;
	s5 =	sld [smem:$0x3FB3]  }
0x2b: {  	s6 =	sld [smem:$0x3FB4]  }
0x2c: {  	s7 =	sld [smem:$0x3FB5]  }
0x2d: {  	s3 =	simm.s32 $0x108;
	s8 =	sld [smem:$0x3FB6]  }
0x2e: {  	s3 =	simm.s32 @!p0 $0x1082;
	s9 =	sld [smem:$0x3FB7]  }
0x2f: {  	lr =	sadd.s32 s0, s3;
	s0 =	sld [smem:$0x3FAE]  }
0x30: {  	s3 =	sld [smem:$0x3FB1]  }
0x31: {  	[smem:$0x3FBA] =	sst s10  }
0x32: {  	s10 =	sld [smem:$0x3FB8];
	_ =	sdelay $0x3  }
0x33: {  	p0 =	seq.s32 s10, $0x1;
	s10 =	sld [smem:$0x3FBA];
	_ =	sdelay $0x3  }
0x34: {  	[smem:$0x3FBA] =	sst s10  }
0x35: {  	s10 =	sld [smem:$0x3FB9];
	_ =	sdelay $0x3  }
0x36: {  	p1 =	seq.s32 s10, $0x1;
	s10 =	sld [smem:$0x3FBA];
	_ =	sdelay $0x3  }
0x37: {  	[smem:$0x3FBA] =	sst s10  }
0x38: {  	s10 =	sld [smem:$0x3FBB]  }
0x39: {  	_ = 	snop;
	(pc) =	sbr.ind lr, $3  }
0x3a: {  	_ = 	snop  }
0x3b: {  	_ = 	snop  }
0x3c: {  	p2 =	seq.s32 s10, $0x1;
	s10 =	sld [smem:$0x3FBA]  }
0x3d: {  	_ =	shalt  }
0x3e: {  	_ =	shalt  }
0x3f: {  	_ =	shalt  }
0x40: {  	_ =	shalt  }
0x41: {  	_ =	shalt  }
0x42: {  	_ =	shalt  }
0x43: {  	_ =	shalt  }
0x44: {  	_ =	shalt  }
0x45: {  	_ =	shalt  }
0x46: {  	_ =	shalt  }
0x47: {  	_ =	shalt  }
0x48: {  	_ =	shalt  }
0x49: {  	_ =	shalt  }
0x4a: {  	_ =	shalt  }
0x4b: {  	_ =	shalt  }
0x4c: {  	_ =	shalt  }
0x4d: {  	_ =	shalt  }
0x4e: {  	_ =	shalt  }
0x4f: {  	_ =	shalt  }
0x50: {  	_ =	shalt  }
0x51: {  	_ =	shalt  }
0x52: {  	_ =	shalt  }
0x53: {  	_ =	shalt  }
0x54: {  	_ =	shalt  }
0x55: {  	_ =	shalt  }
0x56: {  	_ =	shalt  }
0x57: {  	_ =	shalt  }
0x58: {  	_ =	shalt  }
0x59: {  	_ =	shalt  }
0x5a: {  	_ =	shalt  }
0x5b: {  	_ =	shalt  }
0x5c: {  	_ =	shalt  }
0x5d: {  	_ =	shalt  }
0x5e: {  	_ =	shalt  }
0x5f: {  	_ =	shalt  }
0x60: {  	_ =	shalt  }
0x61: {  	_ =	shalt  }
0x62: {  	_ =	shalt  }
0x63: {  	_ =	shalt  }
0x64: {  	_ =	shalt  }
0x65: {  	_ =	shalt  }
0x66: {  	_ =	shalt  }
0x67: {  	_ =	shalt  }
0x68: {  	_ =	shalt  }
0x69: {  	_ =	shalt  }
0x6a: {  	_ =	shalt  }
0x6b: {  	_ =	shalt  }
0x6c: {  	_ =	shalt  }
0x6d: {  	_ =	shalt  }
0x6e: {  	_ =	shalt  }
0x6f: {  	_ =	shalt  }
0x70: {  	_ =	shalt  }
0x71: {  	_ =	shalt  }
0x72: {  	_ =	shalt  }
0x73: {  	_ =	shalt  }
0x74: {  	_ =	shalt  }
0x75: {  	_ =	shalt  }
0x76: {  	_ =	shalt  }
0x77: {  	_ =	shalt  }
0x78: {  	_ =	shalt  }
0x79: {  	_ =	shalt  }
0x7a: {  	_ =	shalt  }
0x7b: {  	_ =	shalt  }
0x7c: {  	_ =	shalt  }
0x7d: {  	_ =	shalt  }
0x7e: {  	_ =	shalt  }
0x7f: {  	_ =	shalt  }
0x80: {  	_ =	shalt  }
0x81: {  	_ =	shalt  }
0x82: {  	_ =	shalt  }
0x83: {  	_ =	shalt  }
0x84: {  	_ =	shalt  }
0x85: {  	_ =	shalt  }
0x86: {  	_ =	shalt  }
0x87: {  	_ =	shalt  }
.Lfunc_end0:
.L_simem_size_0:
called_computation_lowered:
.L_overlay_start_0:
0x88: {  	s2 =	sld [smem:$0x3FD9]  }
0x89: {  	s3 =	sld [smem:$0x3FFE];
	_ =	sdelay $0x1  }
0x8a: {  	s1 =	srdreg.scid  }
0x8b: {  	s0 =	sand.u32 $0x1, s1  }
0x8c: {  	s17 =	sshll.u32 s0, $0xA;
	s2 =	sadd.s32 s3, s2  }
0x8d: {  	s2 =	sadd.s32 s2, s17  }
0x8e: {  	[smem:$0x3FC6] =	sst s2  }
0x8f: {  	_ = 	snop  }
0x90: {  	s2 =	sld [smem:$0x3FC8]  }
0x91: {  	s18 =	sld [smem:$0x3FD0];
	(tm) =	ssettm $0x1  }
0x92: {  	s4 =	sld [smem:$0x3FFB];
	_ =	sdelay $0x3  }
0x93: {  	_ =	strace s4  }
0x94: {  	s4 =	sld [smem:$0x3FFC];
	_ =	sdelay $0x3  }
0x95: {  	_ =	strace s4  }
0x96: {  	s4 =	sld [smem:$0x3FFD];
	_ =	sdelay $0x3  }
0x97: {  	_ =	strace s4  }
0x98: {  	_ =	strace $0x8FFFFFFF  }
0x99: {  	s19 =	sld [smem:$0x3FDB];
	_ =	sdelay $0x1  }
0x9a: {  	s5 =	simm.s32 $_scs_section_size  }
0x9b: {  	s6 =	simm.s32 $_size__tile_overlayer_lowered;
	s7 =	simm.s32 $_tile_overlayer_lowered  }
0x9c: {  	s22 =	simm.s32 $0x1BFF;
	s21 =	sshll.u32 s7, $0x1;
	s4 =	sadd.s32 s5, s19  }
0x9d: {  	s8 =	simm.s32 $0x0;
	s20 =	sshll.u32 s6, $0x1;
	s6 =	sadd.s32 s21, s4  }
0x9e: {  	[timem:s8], [sflag:s22] =	dma.local [hbm:s6], s20  }
0x9f: {  	_ =	swait.ge [sflag:s22], s20  }
0xa0: {  	s5 =	ssub.s32 $0x0, s20;
	[sflag:s22] =	ssyncset.done $0x0  }
0xa1: {  	[sflag:s22] =	ssyncadd.s32 s5;
	_ =	sdelay $0x1  }
0xa2: {  	s23 =	simm.s32 $0x1B8B  }
0xa3: {  	_ =	swait.ge [sflag:s23], $0x1  }
0xa4: {  	[sflag:s23] =	ssyncset.done $0x0  }
0xa5: {  	s25 =	simm.s32 $0x1B8E;
	s24 =	sld [smem:$0x3FFE];
	[sflag:s23] =	ssyncadd.s32 $0xFFFFFFFF  }
0xa6: {  	s26 =	simm.s32 $execute0_lowered;
	[smem:$0x3FD2] =	sst s25  }
0xa7: {  	s6 =	sshll.u32 s26, $0x1;
	_ =	strace $0x80000046;
	[dreg:$0x1] =	wrdreg $0xFFFFFFFF  }
0xa8: {  	s28 =	simm.s32 $_size_execute0_lowered;
	s4 =	sadd.s32 s4, s6;
	[dreg:$0x0] =	wrdreg $0x0  }
0xa9: {  	s6 =	sshll.u32 s28, $0x1;
	[dreg:$0x2] =	wrdreg s4  }
0xaa: {  	[dreg:$0x3] =	wrdreg s6  }
0xab: {  	[dreg:$0x4] =	wrdreg $0xC0  }
0xac: {  	_ =	task [dreg:s8], $0x5FFFF  }
0xad: {  	[dreg:$0x1] =	wrdreg $0xFFFFFFFF  }
0xae: {  	[dreg:$0x0] =	wrdreg $0x60  }
0xaf: {  	[dreg:$0x2] =	wrdreg s24  }
0xb0: {  	[dreg:$0x3] =	wrdreg s2  }
0xb1: {  	[dreg:$0x4] =	wrdreg s18  }
0xb2: {  	[dreg:$0x5] =	wrdreg $0x1A4000  }
0xb3: {  	[dreg:$0x6] =	wrdreg $0x9  }
0xb4: {  	_ =	task.clear_ibuf [dreg:s8], $0x7FFFF;
	_ =	strace $0x90000046  }
0xb5: {  	s29 =	simm.s32 $0x9;
	_ =	strace $0x80000048  }
0xb6: {  	_ =	swait.ge [sflag:s29], $0x1  }
0xb7: {  	[sflag:s29] =	ssyncadd.s32 $0xFFFFFFFF  }
0xb8: {  	_ =	strace $0x90000048  }
0xb9: {  	_ =	sfence  }
0xba: {  	s30 =	sld [smem:$0x0];
	_ =	sdelay $0x2  }
0xbb: {  	s31 =	sshll.u32 s1, $0xD;
	s1 =	sshrl.u32 s1, $0x2  }
0xbc: {  	s3 =	sand.u32 $0x4000, s31;
	s1 =	sadd.s32 s1, s30  }
0xbd: {  	s0 =	sor.u32 s3, s0;
	s1 =	sshll.u32 s1, $0x11  }
0xbe: {  	s0 =	sor.u32 s1, s0  }
0xbf: {  	s0 =	sadd.s32 $0x8F2B, s0  }
0xc0: {  	[sflag:s0] =	ssyncadd.remote.s32 $0x1  }
0xc1: {  	_ =	sfence.sel $0xFFFF  }
0xc2: {  	[dreg:$0x0] =	wrdreg $0xFFFFFFFF;
	(pc) =	sbr.abs _section_cstart, $3  }
0xc3: {  	[dreg:$0x1] =	wrdreg $0xFFFFFFFF  }
0xc4: {  	_ =	task.clear_ibuf [dreg:s8], $0x2FFFF;
	_ =	strace $0x9FFFFFFF  }
0xc5: {  	(tm) =	ssettm $0x7FFFFFFF  }
tec
execute0_lowered:
.L_overlay_start_1:
0x0: {  	(tag) =	ssettag $0x1  }
0x1: {  	s0 =	rddreg [dreg:$0x0];
	s2 =	srdreg.scid  }
0x2: {  	s13 =	stileid.u32;
	s1 =	rddreg [dreg:$0x1]  }
0x3: {  	s3 =	rddreg [dreg:$0x2];
	s5 =	simm.s32 $0x0;
	s16 =	simm.s32 $0x80  }
0x4: {  	s17 =	simm.s32 $0x6400;
	s18 =	simm.s32 $0xA400;
	s8 =	smul.u32 $0xC000, s13  }
0x5: {  	s19 =	simm.s32 $0x12400;
	s20 =	simm.s32 $0x1;
	s9 =	smul.u32 $0x600, s13  }
0x6: {  	s31 =	simm.s32 $0xE400;
	s2 =	sand.u32 $0x1, s2;
	s11 =	smul.u32 $0xC8000, s13  }
0x7: {  	s4 =	sshll.u32 s13, $0x1;
	s12 =	sshll.u32 s13, $0x6;
	s13 =	smul.u32 $0x640000, s13  }
0x8: {  	[smem:$0x7FF] =	sst s5;
	s6 =	sor.u32 s2, s4;
	s22 =	smul.u32 $0x64000, s2  }
0x9: {  	s4 =	rddreg [dreg:$0x3];
	s10 =	ssub.s32 $0x2, s2;
	s2 =	smul.u32 $0x320000, s2  }
0xa: {  	_ =	strace $0x80000047;
	s23 =	sor.u32 $0x1C04, s12;
	s7 =	smul.u32 $0xC80, s6  }
0xb: {  	[dreg:$0x6] =	wrdreg s31;
	s6 =	smul.u32 $0x320000, s6;
	s21 =	sshrl.u32 s10, $0x1  }
0xc: {  	s8 =	sshrl.u32 s8, $0x2;
	s9 =	sadd.s32 s1, s9;
	[dreg:$0x8] =	wrdreg s23  }
0xd: {  	s24 =	sadd.s32 s11, s3;
	s8 =	sadd.s32 s8, s4;
	[dreg:$0x7] =	wrdreg s9  }
0xe: {  	s26 =	sadd.s32 s2, s13;
	s0 =	sadd.s32 s7, s0;
	s7 =	ssub.s32 s10, s21  }
0xf: {  	[dreg:$0x5] =	wrdreg s6;
	s2 =	sor.u32 $0x10000, s26;
	s30 =	sshrl.u32 s8, $0x3  }
0x10: {  	s28 =	sor.u32 $0xC000, s26;
	s0 =	sadd.s32 $0x400, s0;
	[dreg:$0xf] =	wrdreg s30  }
0x11: {  	s25 =	smax.u32 s7, $0x1;
	s2 =	sshrl.u32 s2, $0x3;
	[dreg:$0x9] =	wrdreg s0  }
0x12: {  	s6 =	sshrl.u32 s28, $0x3;
	[dreg:$0xa] =	wrdreg s25;
	s0 =	sadd.s32 s22, s24  }
0x13: {  	s2 =	sadd.s32 s2, s3;
	[dreg:$0xb] =	wrdreg s0;
	s0 =	sor.u32 $0x4000, s26  }
0x14: {  	s29 =	sadd.s32 s6, s3;
	[dreg:$0xc] =	wrdreg s2;
	s0 =	sshrl.u32 s0, $0x3  }
0x15: {  	s21 =	simm.s32 $0x16400;
	[dreg:$0xd] =	wrdreg s29;
	s0 =	sadd.s32 s0, s3  }
0x16: {  	s22 =	simm.s32 $0x3;
	s2 =	simm.s32 $0x0;
	[dreg:$0xe] =	wrdreg s0  }
.LBB2_1:
0x17: {  	[dreg:$0x10] =	wrdreg s2  }
0x18: {  	s0 =	rddreg [dreg:$0x7]  }
0x19: {  	s8 =	rddreg [dreg:$0x8]  }
0x1a: {  	s6 =	rddreg [dreg:$0xf];
	s9 =	simm.s32 $0x4  }
0x1b: {  	[spmem:s6], [sflag:s8] =	dma.local [hbm:s0], $0x600  }
0x1c: {  	_ =	swait.ge [sflag:s9], $0x600  }
0x1d: {  	[sflag:s9] =	ssyncset.done $0x0  }
0x1e: {  	s10 =	rddreg [dreg:$0x9];
	[sflag:s9] =	ssyncadd.s32 $0xFFFFFA00  }
0x1f: {  	[tilespmem:s5], [sflag:$0x4] =	stream.linear.gather [hbm4b:s10+s5], $0x6400, $0x38;
	[tilespmem:$0x1D400] =	vst v63  }
0x20: {  	_ =	swait.ge [sflag:s9], $0x6400  }
0x21: {  	[sflag:s9] =	ssyncset.done $0x0  }
0x22: {  	p1 =	por $0x0, $0x0;
	[sflag:s9] =	ssyncadd.s32 $0xFFFF9C00  }
0x23: {  	s0 =	sand.u32 @p1 $0x3, s5;
	p0 =	por p1, p1;
	[bflag:$0x0] =	sbarrier.arrive $0xFFFF  }
0x24: {  	[tilespmem:s17], [sflag:$0x2] =	stream.indirect.gather [hbm4b:s1+s16], $0x80, s5, s16, $0xb8;
	[tilespmem:$0x1D400] =	vst v63  }
0x25: {  	s2 =	simm.s32 @p1 $0x100;
	p2 =	seq.s32 @p1 s0, $0x0;
	s6 =	simm.s32 @p0 $0x3  }
0x26: {  	[tilespmem:s18], [sflag:$0x1] =	stream.indirect.gather [spmem:s4], $0x80, s16, s16, $0xb8;
	[tilespmem:$0x1D400] =	vst v63  }
0x27: {  	s7 =	simm.s32 @p1 $0x2;
	p2 =	por !p2, !p1;
	_ =	swait.ge @p0 [sflag:s6], $0x4000  }
0x28: {  	s8 =	simm.s32 @!p0 $0xE400;
	s7 =	simm.s32 @p2 $0x1;
	[sflag:s6] =	ssyncset.done @p0 $0x0  }
0x29: {  	s10 =	simm.s32 @p0 $0x80;
	s9 =	simm.s32 @p0 $0xE400;
	[sflag:s6] =	ssyncadd.s32 @p0 $0xFFFFC000  }
0x2a: {  	[tilespmem:s9], [sflag:$0x1] =	stream.indirect.gather @p0 [spmem:s4], $0x80, s2, s10, $0xb8;
	[tilespmem:$0x1D400] =	vst v63  }
0x2b: {  	s7 =	simm.s32 @!p0 $0x2;
	s6 =	simm.s32 @!p0 $0x80;
	s2 =	simm.s32 @!p0 $0x100  }
0x2c: {  	[tilespmem:s8], [sflag:$0x1] =	stream.indirect.gather @!p0 [spmem:s4], $0x80, s2, s6, $0xb8;
	[tilespmem:$0x1D400] =	vst v63  }
0x2d: {  	_ =	swait.ge [sflag:s7], $0x4000  }
0x2e: {  	p2 =	por $0x1, $0x1;
	[sflag:s7] =	ssyncset.done $0x0  }
0x2f: {  	s2 =	simm.s32 @!p2 $0x3;
	s11 =	rddreg [dreg:$0xb];
	[sflag:s7] =	ssyncadd.s32 $0xFFFFC000  }
0x30: {  	[hbm4b:s11+s5] =	stream.linear.scatter [tilespmem:s17], [sflag:$0x3], $0x4000, $0x38;
	[tilespmem:$0x1D400] =	vst v63  }
0x31: {  	_ =	swait.ge @!p2 [sflag:s2], $0x4000  }
0x32: {  	s12 =	simm.s32 $0x180;
	[sflag:s2] =	ssyncset.done @!p2 $0x0  }
0x33: {  	s14 =	simm.s32 $0x200;
	s24 =	simm.s32 $0xA00;
	[sflag:s2] =	ssyncadd.s32 @!p2 $0xFFFFC000  }
0x34: {  	[tilespmem:s19], [sflag:$0x1] =	stream.indirect.gather [spmem:s4], $0x80, s12, s16, $0xb8;
	[tilespmem:$0x1D400] =	vst v63  }
0x35: {  	s29 =	simm.s32 $0x1400;
	s30 =	simm.s32 $0x1C000;
	_ =	swait.ge [sflag:s20], $0x4000  }
0x36: {  	p4 =	por @!p1 $0x0, $0x0;
	p3 =	seq.s32 @p1 s0, $0x3;
	[sflag:s20] =	ssyncset.done $0x0  }
0x37: {  	s0 =	simm.s32 $0x1;
	s13 =	rddreg [dreg:$0xe];
	[sflag:s20] =	ssyncadd.s32 $0xFFFFC000  }
0x38: {  	[hbm4b:s13+s5] =	stream.linear.scatter [tilespmem:s18], [sflag:$0x3], $0x4000, $0x38;
	[tilespmem:$0x1D400] =	vst v63  }
0x39: {  	p3 =	por @!p1 p4, p4;
	p1 =	por $0x1, $0x1;
	_ =	swait.ge @!p2 [sflag:s2], $0x4000  }
0x3a: {  	p3 =	por p3, p3;
	s0 =	sand.u32 @p1 $0x3, s0;
	[sflag:s2] =	ssyncset.done @!p2 $0x0  }
0x3b: {  	s31 =	simm.s32 @p1 $0x380;
	s28 =	simm.s32 @p1 $0x2;
	[sflag:s2] =	ssyncadd.s32 @!p2 $0xFFFFC000  }
0x3c: {  	[tilespmem:s21], [sflag:$0x1] =	stream.indirect.gather [spmem:s4], $0x80, s14, s16, $0xb8;
	[tilespmem:$0x1D400] =	vst v63  }
0x3d: {  	s6 =	simm.s32 $0x8000;
	p2 =	seq.s32 @p1 s0, $0x0;
	_ =	swait.ge [sflag:s20], $0x4000  }
0x3e: {  	s6 =	simm.s32 @!p0 $0x8000;
	p0 =	por !p2, !p1;
	s15 =	rddreg [dreg:$0x5]  }
0x3f: {  	p2 =	por $0x0, $0x0;
	s28 =	simm.s32 @p0 $0x1;
	s2 =	sadd.s32 s15, s6  }
0x40: {  	p0 =	seq.s32 @p1 s0, $0x3;
	[sflag:s20] =	ssyncset.done $0x0;
	s2 =	sshrl.u32 s2, $0x3  }
0x41: {  	s23 =	rddreg [dreg:$0x6];
	[sflag:s20] =	ssyncadd.s32 $0xFFFFC000;
	s2 =	sadd.s32 s3, s2  }
0x42: {  	[hbm4b:s2+s5] =	stream.linear.scatter [tilespmem:s23], [sflag:$0x3], $0x4000, $0x38;
	[tilespmem:$0x1D400] =	vst v63  }
0x43: {  	p4 =	por p3, p2;
	p3 =	por !p3, p2;
	_ =	swait.ge [sflag:s22], $0x4000  }
0x44: {  	s7 =	simm.s32 @!p2 $0x80;
	s0 =	simm.s32 @!p4 $0x80;
	[sflag:s22] =	ssyncset.done $0x0  }
0x45: {  	s6 =	simm.s32 @!p2 $0x280;
	s2 =	simm.s32 @!p4 $0x6400;
	[sflag:s22] =	ssyncadd.s32 $0xFFFFC000  }
0x46: {  	[tilespmem:s2], [sflag:$0x1] =	stream.indirect.gather @!p4 [spmem:s4], $0x80, s6, s0, $0xb8;
	[tilespmem:$0x1D400] =	vst v63  }
0x47: {  	s8 =	simm.s32 @!p2 $0xA400;
	p4 =	por @!p1 $0x0, $0x0;
	s0 =	simm.s32 @!p3 $0x80  }
0x48: {  	s2 =	simm.s32 @!p3 $0x6400;
	p0 =	por @!p1 p4, p4;
	p1 =	por p1, p1  }
0x49: {  	[tilespmem:s2], [sflag:$0x2] =	stream.indirect.gather @!p3 [hbm4b:s1+s0], $0x80, s6, s0, $0xb8;
	[tilespmem:$0x1D400] =	vst v63  }
0x4a: {  	s6 =	simm.s32 @!p2 $0x300;
	p0 =	por p0, p0;
	_ =	swait.ge [sflag:s20], $0x4000  }
0x4b: {  	s2 =	sadd.s32 $0x2800, s13;
	s0 =	sadd.s32 $0x2800, s11;
	[sflag:s20] =	ssyncset.done $0x0  }
0x4c: {  	s12 =	simm.s32 @p1 $0x3;
	s25 =	rddreg [dreg:$0xd];
	[sflag:s20] =	ssyncadd.s32 $0xFFFFC000  }
0x4d: {  	[hbm4b:s25+s5] =	stream.linear.scatter [tilespmem:s19], [sflag:$0x3], $0x4000, $0x38;
	[tilespmem:$0x1D400] =	vst v63  }
0x4e: {  	s14 =	simm.s32 @!p1 $0xE400;
	s13 =	simm.s32 @p1 $0xE400;
	_ =	swait.ge [sflag:s22], $0x4000  }
0x4f: {  	s10 =	simm.s32 @!p1 $0x100;
	s11 =	rddreg [dreg:$0xc];
	[sflag:s22] =	ssyncset.done $0x0  }
0x50: {  	s26 =	sadd.s32 $0x2800, s25;
	s25 =	sadd.s32 $0x2800, s11;
	[sflag:s22] =	ssyncadd.s32 $0xFFFFC000  }
0x51: {  	[tilespmem:s8], [sflag:$0x1] =	stream.indirect.gather @!p2 [spmem:s4], $0x80, s6, s7, $0xb8;
	[tilespmem:$0x1D400] =	vst v63  }
0x52: {  	s8 =	simm.s32 @p1 $0x80;
	s6 =	simm.s32 $0x2;
	_ =	swait.ge [sflag:s20], $0x4000  }
.LBB2_2:
0x53: {  	[sflag:s20] =	ssyncset.done $0x0  }
0x54: {  	[sflag:s20] =	ssyncadd.s32 $0xFFFFC000  }
0x55: {  	[hbm4b:s11+s5] =	stream.linear.scatter [tilespmem:s21], [sflag:$0x3], $0x4000, $0x38;
	[tilespmem:$0x1D400] =	vst v63  }
0x56: {  	_ =	swait.ge @p1 [sflag:s12], $0x4000  }
0x57: {  	[sflag:s12] =	ssyncset.done @p1 $0x0  }
0x58: {  	[sflag:s12] =	ssyncadd.s32 @p1 $0xFFFFC000  }
0x59: {  	[tilespmem:s13], [sflag:$0x1] =	stream.indirect.gather @p1 [spmem:s4], $0x80, s31, s8, $0xb8;
	[tilespmem:$0x1D400] =	vst v63  }
0x5a: {  	s28 =	simm.s32 @!p1 $0x2;
	s8 =	simm.s32 @!p1 $0x80  }
0x5b: {  	[tilespmem:s14], [sflag:$0x1] =	stream.indirect.gather @!p1 [spmem:s4], $0x80, s10, s8, $0xb8;
	[tilespmem:$0x1D400] =	vst v63  }
0x5c: {  	_ =	swait.ge [sflag:s28], $0x4000  }
0x5d: {  	p4 =	sne.s32 s29, $0x0;
	p5 =	seq.s32 s24, $0x0;
	[sflag:s28] =	ssyncset.done $0x0  }
0x5e: {  	s9 =	smov.u32 s29;
	s8 =	simm.s32 @!p5 $0x3;
	[sflag:s28] =	ssyncadd.s32 $0xFFFFC000  }
0x5f: {  	[hbm4b:s0+s5] =	stream.linear.scatter [tilespmem:s17], [sflag:$0x3], $0x4000, $0x38;
	[tilespmem:$0x1D400] =	vst v63  }
0x60: {  	s29 =	sadd.s32 $0xA00, s29;
	s7 =	smov.u32 s26;
	_ =	swait.ge @!p5 [sflag:s8], $0x4000  }
0x61: {  	s26 =	sadd.s32 $0x2800, s26;
	s13 =	sshra.s32 s24, $0x2;
	[sflag:s8] =	ssyncset.done @!p5 $0x0  }
0x62: {  	s15 =	sshra.s32 @p4 s9, $0x2;
	s14 =	sadd.s32 $0x180, s13;
	[sflag:s8] =	ssyncadd.s32 @!p5 $0xFFFFC000  }
0x63: {  	[tilespmem:s19], [sflag:$0x1] =	stream.indirect.gather [spmem:s4], $0x80, s14, s16, $0xb8;
	[tilespmem:$0x1D400] =	vst v63  }
0x64: {  	s23 =	sand.u32 @p4 $0x3, s6;
	s11 =	sadd.s32 @p4 $0x100, s15;
	_ =	swait.ge [sflag:s20], $0x4000  }
0x65: {  	p2 =	seq.s32 @p4 s23, $0x0;
	s15 =	simm.s32 @p4 $0x2;
	[sflag:s20] =	ssyncset.done $0x0  }
0x66: {  	p3 =	seq.s32 @p4 s23, $0x3;
	p2 =	por !p2, !p4;
	[sflag:s20] =	ssyncadd.s32 $0xFFFFC000  }
0x67: {  	[hbm4b:s2+s5] =	stream.linear.scatter [tilespmem:s18], [sflag:$0x3], $0x4000, $0x38;
	[tilespmem:$0x1D400] =	vst v63  }
0x68: {  	s15 =	simm.s32 @p2 $0x1;
	p2 =	por @!p4 $0x0, $0x0;
	_ =	swait.ge @!p5 [sflag:s8], $0x4000  }
0x69: {  	s6 =	sadd.s32 $0x1, s6;
	p3 =	por @!p4 p2, p2;
	[sflag:s8] =	ssyncset.done @!p5 $0x0  }
0x6a: {  	p2 =	sne.s32 s29, $0x19000;
	s10 =	sadd.s32 $0x200, s13;
	[sflag:s8] =	ssyncadd.s32 @!p5 $0xFFFFC000  }
0x6b: {  	[tilespmem:s21], [sflag:$0x1] =	stream.indirect.gather [spmem:s4], $0x80, s10, s16, $0xb8;
	[tilespmem:$0x1D400] =	vst v63  }
0x6c: {  	s31 =	smov.u32 s11;
	s10 =	smov.u32 s30;
	_ =	swait.ge [sflag:s20], $0x4000  }
0x6d: {  	s28 =	smov.u32 s15;
	s10 =	simm.s32 @!p1 $0x8000;
	s15 =	rddreg [dreg:$0x5]  }
0x6e: {  	s11 =	smov.u32 s25;
	p1 =	por p4, p4;
	s8 =	sadd.s32 s15, s10  }
0x6f: {  	p4 =	seq.s32 s24, $0x18600;
	[sflag:s20] =	ssyncset.done $0x0;
	s8 =	sshrl.u32 s8, $0x3  }
0x70: {  	s23 =	rddreg [dreg:$0x6];
	[sflag:s20] =	ssyncadd.s32 $0xFFFFC000;
	s8 =	sadd.s32 s3, s8  }
0x71: {  	[hbm4b:s8+s5] =	stream.linear.scatter [tilespmem:s23], [sflag:$0x3], $0x4000, $0x38;
	[tilespmem:$0x1D400] =	vst v63  }
0x72: {  	p5 =	por p0, p4;
	p6 =	por !p0, p4;
	_ =	swait.ge [sflag:s22], $0x4000  }
0x73: {  	s10 =	simm.s32 @!p5 $0x80;
	s8 =	sshra.s32 @!p4 s24, $0x2;
	[sflag:s22] =	ssyncset.done $0x0  }
0x74: {  	s12 =	simm.s32 @!p5 $0x6400;
	s13 =	sadd.s32 @!p4 $0x280, s8;
	[sflag:s22] =	ssyncadd.s32 $0xFFFFC000  }
0x75: {  	[tilespmem:s12], [sflag:$0x1] =	stream.indirect.gather @!p5 [spmem:s4], $0x80, s13, s10, $0xb8;
	[tilespmem:$0x1D400] =	vst v63  }
0x76: {  	s25 =	sadd.s32 $0x2800, s25;
	s14 =	simm.s32 @!p6 $0x80;
	s15 =	simm.s32 @!p6 $0x6400  }
0x77: {  	[tilespmem:s15], [sflag:$0x2] =	stream.indirect.gather @!p6 [hbm4b:s1+s14], $0x80, s13, s14, $0xb8;
	[tilespmem:$0x1D400] =	vst v63  }
0x78: {  	s0 =	sadd.s32 $0x2800, s0;
	s2 =	sadd.s32 $0x2800, s2;
	_ =	swait.ge [sflag:s20], $0x4000  }
0x79: {  	s30 =	sadd.s32 $0x14000, s30;
	p0 =	por p3, p3;
	[sflag:s20] =	ssyncset.done $0x0  }
0x7a: {  	s24 =	smov.u32 s9;
	s9 =	simm.s32 @!p4 $0xA400;
	[sflag:s20] =	ssyncadd.s32 $0xFFFFC000  }
0x7b: {  	[hbm4b:s7+s5] =	stream.linear.scatter [tilespmem:s19], [sflag:$0x3], $0x4000, $0x38;
	[tilespmem:$0x1D400] =	vst v63  }
.Ltmp0:
0x7c: {  	s8 =	sadd.s32 @!p4 $0x300, s8;
	_ =	swait.ge [sflag:s22], $0x4000;
	(pc) =	sbr.rel @p2 .LBB2_2-.Ltmp0, $4  }
0x7d: {  	s12 =	simm.s32 @p1 $0x3;
	s10 =	simm.s32 @!p1 $0x100;
	[sflag:s22] =	ssyncset.done $0x0  }
0x7e: {  	s14 =	simm.s32 @!p1 $0xE400;
	s7 =	simm.s32 @!p4 $0x80;
	[sflag:s22] =	ssyncadd.s32 $0xFFFFC000  }
0x7f: {  	[tilespmem:s9], [sflag:$0x1] =	stream.indirect.gather @!p4 [spmem:s4], $0x80, s8, s7, $0xb8;
	[tilespmem:$0x1D400] =	vst v63  }
0x80: {  	s13 =	simm.s32 @p1 $0xE400;
	s8 =	simm.s32 @p1 $0x80;
	_ =	swait.ge [sflag:s20], $0x4000  }
0x81: {  	[sflag:s20] =	ssyncset.done $0x0  }
0x82: {  	[sflag:s20] =	ssyncadd.s32 $0xFFFFC000  }
0x83: {  	[hbm4b:s11+s5] =	stream.linear.scatter [tilespmem:s21], [sflag:$0x3], $0x4000, $0x38;
	[tilespmem:$0x1D400] =	vst v63  }
0x84: {  	_ =	swait.ge @p1 [sflag:s12], $0x4000  }
0x85: {  	[sflag:s12] =	ssyncset.done @p1 $0x0  }
0x86: {  	[sflag:s12] =	ssyncadd.s32 @p1 $0xFFFFC000  }
0x87: {  	[tilespmem:s13], [sflag:$0x1] =	stream.indirect.gather @p1 [spmem:s4], $0x80, s31, s8, $0xb8;
	[tilespmem:$0x1D400] =	vst v63  }
0x88: {  	s6 =	simm.s32 @!p1 $0x80;
	s28 =	simm.s32 @!p1 $0x2  }
0x89: {  	[tilespmem:s14], [sflag:$0x1] =	stream.indirect.gather @!p1 [spmem:s4], $0x80, s10, s6, $0xb8;
	[tilespmem:$0x1D400] =	vst v63  }
0x8a: {  	_ =	swait.ge [sflag:s28], $0x4000  }
0x8b: {  	p2 =	seq.s32 s24, $0x0;
	[sflag:s28] =	ssyncset.done $0x0  }
0x8c: {  	s6 =	simm.s32 @!p2 $0x3;
	[sflag:s28] =	ssyncadd.s32 $0xFFFFC000  }
0x8d: {  	[hbm4b:s0+s5] =	stream.linear.scatter [tilespmem:s17], [sflag:$0x3], $0x4000, $0x38;
	[tilespmem:$0x1D400] =	vst v63  }
0x8e: {  	_ =	swait.ge @!p2 [sflag:s6], $0x4000  }
0x8f: {  	s23 =	sshra.s32 s24, $0x2;
	[sflag:s6] =	ssyncset.done @!p2 $0x0  }
0x90: {  	s7 =	sadd.s32 $0x180, s23;
	[sflag:s6] =	ssyncadd.s32 @!p2 $0xFFFFC000  }
0x91: {  	[tilespmem:s19], [sflag:$0x1] =	stream.indirect.gather [spmem:s4], $0x80, s7, s16, $0xb8;
	[tilespmem:$0x1D400] =	vst v63  }
0x92: {  	_ =	swait.ge [sflag:s20], $0x4000  }
0x93: {  	[sflag:s20] =	ssyncset.done $0x0  }
0x94: {  	[sflag:s20] =	ssyncadd.s32 $0xFFFFC000  }
0x95: {  	[hbm4b:s2+s5] =	stream.linear.scatter [tilespmem:s18], [sflag:$0x3], $0x4000, $0x38;
	[tilespmem:$0x1D400] =	vst v63  }
0x96: {  	_ =	swait.ge @!p2 [sflag:s6], $0x4000  }
0x97: {  	[sflag:s6] =	ssyncset.done @!p2 $0x0  }
0x98: {  	s0 =	sadd.s32 $0x200, s23;
	[sflag:s6] =	ssyncadd.s32 @!p2 $0xFFFFC000  }
0x99: {  	[tilespmem:s21], [sflag:$0x1] =	stream.indirect.gather [spmem:s4], $0x80, s0, s16, $0xb8;
	[tilespmem:$0x1D400] =	vst v63  }
0x9a: {  	_ =	swait.ge [sflag:s20], $0x4000  }
0x9b: {  	s30 =	simm.s32 @!p1 $0x8000;
	s28 =	rddreg [dreg:$0x5]  }
0x9c: {  	s0 =	sadd.s32 s28, s30  }
0x9d: {  	p1 =	seq.s32 s24, $0x18600;
	[sflag:s20] =	ssyncset.done $0x0;
	s0 =	sshrl.u32 s0, $0x3  }
0x9e: {  	s29 =	rddreg [dreg:$0x6];
	[sflag:s20] =	ssyncadd.s32 $0xFFFFC000;
	s0 =	sadd.s32 s3, s0  }
0x9f: {  	[hbm4b:s0+s5] =	stream.linear.scatter [tilespmem:s29], [sflag:$0x3], $0x4000, $0x38;
	[tilespmem:$0x1D400] =	vst v63  }
0xa0: {  	p2 =	por p0, p1;
	p0 =	por !p0, p1;
	_ =	swait.ge [sflag:s22], $0x4000  }
0xa1: {  	s2 =	simm.s32 @!p2 $0x80;
	s0 =	sshra.s32 @!p1 s24, $0x2;
	[sflag:s22] =	ssyncset.done $0x0  }
0xa2: {  	s6 =	simm.s32 @!p2 $0x6400;
	s7 =	sadd.s32 @!p1 $0x280, s0;
	[sflag:s22] =	ssyncadd.s32 $0xFFFFC000  }
0xa3: {  	[tilespmem:s6], [sflag:$0x1] =	stream.indirect.gather @!p2 [spmem:s4], $0x80, s7, s2, $0xb8;
	[tilespmem:$0x1D400] =	vst v63  }
0xa4: {  	s2 =	simm.s32 @!p0 $0x80;
	s6 =	simm.s32 @!p0 $0x6400  }
0xa5: {  	[tilespmem:s6], [sflag:$0x2] =	stream.indirect.gather @!p0 [hbm4b:s1+s2], $0x80, s7, s2, $0xb8;
	[tilespmem:$0x1D400] =	vst v63  }
0xa6: {  	_ =	swait.ge [sflag:s20], $0x4000  }
0xa7: {  	[sflag:s20] =	ssyncset.done $0x0  }
0xa8: {  	[sflag:s20] =	ssyncadd.s32 $0xFFFFC000  }
0xa9: {  	[hbm4b:s26+s5] =	stream.linear.scatter [tilespmem:s19], [sflag:$0x3], $0x4000, $0x38;
	[tilespmem:$0x1D400] =	vst v63  }
0xaa: {  	_ =	swait.ge [sflag:s22], $0x4000  }
0xab: {  	s0 =	sadd.s32 @!p1 $0x300, s0;
	[sflag:s22] =	ssyncset.done $0x0  }
0xac: {  	s2 =	simm.s32 @!p1 $0x80;
	s6 =	simm.s32 @!p1 $0xA400;
	[sflag:s22] =	ssyncadd.s32 $0xFFFFC000  }
0xad: {  	[tilespmem:s6], [sflag:$0x1] =	stream.indirect.gather @!p1 [spmem:s4], $0x80, s0, s2, $0xb8;
	[tilespmem:$0x1D400] =	vst v63  }
0xae: {  	_ =	swait.ge [sflag:s20], $0x4000  }
0xaf: {  	[sflag:s20] =	ssyncset.done $0x0  }
0xb0: {  	[sflag:s20] =	ssyncadd.s32 $0xFFFFC000  }
0xb1: {  	[hbm4b:s25+s5] =	stream.linear.scatter [tilespmem:s21], [sflag:$0x3], $0x4000, $0x38;
	[tilespmem:$0x1D400] =	vst v63  }
0xb2: {  	_ =	swait.ge [sflag:s22], $0x4000  }
0xb3: {  	[sflag:s22] =	ssyncset.done $0x0  }
0xb4: {  	[sflag:s22] =	ssyncadd.s32 $0xFFFFC000  }
0xb5: {  	_ =	swait.ge [sflag:s22], $0x4000  }
0xb6: {  	[sflag:s22] =	ssyncset.done $0x0  }
0xb7: {  	[sflag:s22] =	ssyncadd.s32 $0xFFFFC000  }
0xb8: {  	_ =	swait.ge [sflag:s22], $0x4000  }
0xb9: {  	s30 =	rddreg [dreg:$0x10]  }
0xba: {  	s31 =	rddreg [dreg:$0xa];
	s2 =	sadd.s32 $0x1, s30  }
0xbb: {  	p0 =	sne.s32 s2, s31  }
.Ltmp1:
0xbc: {  	_ = 	snop;
	(pc) =	sbr.rel @p0 .LBB2_1-.Ltmp1, $3  }
0xbd: {  	_ =	sdelay $0x1  }
0xbe: {  	[sflag:s22] =	ssyncset.done $0x0  }
0xbf: {  	[sflag:s22] =	ssyncadd.s32 $0xFFFFC000  }
0xc0: {  	_ =	sfence.sel $0x180000  }
0xc1: {  	[bflag:$0x0] =	sbarrier.arrive $0xFFFF  }
0xc2: {  	_ =	strace $0x90000047  }
0xc3: {  	s0 =	stileid.u32;
	[bflag:$0x2] =	sbarrier.arrive $0xFFFF  }
0xc4: {  	p0 =	sne.s32 s0, $0x0;
	s0 =	rddreg [dreg:$0x4]  }
0xc5: {  	s0 =	sadd.s32 @!p0 $0x100000, s0  }
0xc6: {  	[sflag:s0] =	ssyncadd.tile.s32 @!p0 $0x1;
	_ =	shalt  }
.Lfunc_end2:
_tile_overlayer_lowered:
.L_overlay_start_2:
0xc7: {  	(tag) =	ssettag $0x2  }
0xc8: {  	s0 =	rddreg [dreg:$0x0];
	s2 =	stileid.u32  }
0xc9: {  	s1 =	rddreg [dreg:$0x1];
	p0 =	sne.s32 s2, $0x0  }
0xca: {  	s3 =	rddreg [dreg:$0x2];
	[bflag:$0x3] =	sbarrier.arrive $0xFFFF;
	s2 =	simm.s32 @!p0 $0x1C04  }
0xcb: {  	[timem:s3], [sflag:s2] =	dma.local @!p0 [hbm:s0], s1  }
0xcc: {  	s0 =	simm.s32 @!p0 $0x4  }
0xcd: {  	_ =	swait.ge @!p0 [sflag:s0], s1  }
0xce: {  	s1 =	ssub.s32 @!p0 $0x0, s1;
	[sflag:s0] =	ssyncset.done @!p0 $0x0  }
0xcf: {  	[sflag:s0] =	ssyncadd.s32 @!p0 s1  }
0xd0: {  	[bflag:$0x3] =	sbarrier.arrive $0xFFFF  }
0xd1: {  	_ =	shalt  }

</sc_bundles>
